<compile_context>
chip_gen: v7x
topology: tpu7x:2x2x1
jax: 0.10.2.dev20260603
libtpu: 0.0.44.dev20260713+nightly
codegen_flags: <defaults>
</compile_context>

<pallas_src>
import functools

import jax
import jax.numpy as jnp
import numpy as np
from jax import lax
from jax.experimental import pallas as pl
from jax.experimental.pallas import tpu as pltpu
from jax.experimental.pallas import tpu_sc as plsc

B, S, D = 4, 4096, 1024
ROWS = B * S
NC, NS = 2, 16
NW = NC * NS
CW = 40
NBUF = 3
PER_W = ROWS // NW
CA = PER_W // CW
REM = PER_W - CA * CW


def _sc_body(xf, out, rows0, rows1, rows2, gsem, ssem):
    wid = lax.axis_index("s") * NC + lax.axis_index("c")
    base = wid * PER_W
    rows = (rows0, rows1, rows2)

    g = [None] * CA
    s = [None] * CA
    for c in range(CA):
        if c >= NBUF:
            s[c - NBUF].wait()
        g[c] = pltpu.make_async_copy(
            xf.at[pl.ds(base + c * CW, CW)], rows[c % NBUF], gsem)
        g[c].start()
        if c >= 1:
            g[c - 1].wait()
            s[c - 1] = pltpu.make_async_copy(
                rows[(c - 1) % NBUF], out.at[pl.ds(base + (c - 1) * CW, CW)],
                ssem)
            s[c - 1].start()
    g[CA - 1].wait()
    s[CA - 1] = pltpu.make_async_copy(
        rows[(CA - 1) % NBUF], out.at[pl.ds(base + (CA - 1) * CW, CW)], ssem)
    s[CA - 1].start()
    for c in range(max(0, CA - NBUF), CA):
        s[c].wait()
    if REM:
        r0 = base + CA * CW
        cg = pltpu.make_async_copy(xf.at[pl.ds(r0, REM)],
                                   rows0.at[pl.ds(0, REM)], gsem)
        cg.start()
        cg.wait()
        cs = pltpu.make_async_copy(rows0.at[pl.ds(0, REM)],
                                   out.at[pl.ds(r0, REM)], ssem)
        cs.start()
        cs.wait()


@functools.cache
def _sc_call():
    return pl.kernel(
        _sc_body,
        out_type=jax.ShapeDtypeStruct((ROWS, D), jnp.float32),
        mesh=plsc.VectorSubcoreMesh(
            core_axis_name="c", subcore_axis_name="s",
            num_cores=NC, num_subcores=NS),
        scratch_types=[
            pltpu.VMEM((CW, D), jnp.float32),
            pltpu.VMEM((CW, D), jnp.float32),
            pltpu.VMEM((CW, D), jnp.float32),
            pltpu.SemaphoreType.DMA,
            pltpu.SemaphoreType.DMA,
        ],
    )


def kernel(x, mask_embedding):
    mask = jax.random.normal(jax.random.key(0), (B, S), dtype=jnp.float32) > 0.5
    xf = x.reshape(ROWS, D)
    out = _sc_call()(xf)
    return out.reshape(B, S, D), mask

# --- scband reference (transcript-rebuilt; emitter-appended) ---
"""Pipeline reference for scband-dummy-mask-generator-77635828842838 (READ-ONLY COPY).

The authoritative reference and input builder live on the scoring server;
editing this copy changes nothing except your own understanding.
"""

import jax, jax.numpy as jnp
import numpy as np

B, S, D = 4, 4096, 1024

def setup_inputs(seed: int = 0) -> dict:
    key = jax.random.key(seed)
    k1, k2 = jax.random.split(key)
    x = jax.random.normal(k1, (B, S, D), dtype=jnp.float32)
    mask_embedding = jax.random.normal(k2, (D,), dtype=jnp.float32)
    return {"x": x, "mask_embedding": mask_embedding}

def reference(x, mask_embedding):
    # DummyMaskGenerator.get_mask: randn(shape) > 0.5 with fixed seed
    mask = jax.random.normal(jax.random.key(0), (x.shape[0], x.shape[1]), dtype=jnp.float32) > 0.5
    # x[mask] = mask_embedding  (scatter-overwrite of rows selected by boolean mask)
    x_out = jnp.where(mask[:, :, None], mask_embedding.astype(x.dtype)[None, None, :], x)
    return (x_out, mask)

if __name__ == "__main__":
    import jax
    _d = setup_inputs()
    print(jax.jit(kernel)(*tuple(_d.values())))

</pallas_src>

<mosaic_0001>
#map = affine_map<(d0, d1) -> (0, 0)>
module attributes {stable_mosaic.version = 14 : i64} {
  func.func @_sc_body(%arg0: i32, %arg1: i32, %arg2: memref<16384x1024xf32, #tpu.memory_space<hbm>>, %arg3: memref<16384x1024xf32, #tpu.memory_space<hbm>>, %arg4: memref<40x1024xf32, #tpu.memory_space<vmem>>, %arg5: memref<40x1024xf32, #tpu.memory_space<vmem>>, %arg6: memref<40x1024xf32, #tpu.memory_space<vmem>>, %arg7: memref<!tpu.dma_semaphore, #tpu.memory_space<semaphore_mem>>, %arg8: memref<!tpu.dma_semaphore, #tpu.memory_space<semaphore_mem>>) attributes {dimension_semantics = [#tpu.dimension_semantics<core_parallel>, #tpu.dimension_semantics<subcore_parallel>], iteration_bounds = array<i64: 2, 16>, scalar_prefetch = 0 : i64, scratch_operands = 5 : i64, tpu.core_type = #tpu.core_type<sc_vector_subcore>, window_params = [{transform_indices = #map}, {transform_indices = #map}]} {
    %mul3A = arith.constant 2 : i32
    %mul3A_0 = arith.muli %arg1, %mul3A : i32
    %add3A = arith.addi %mul3A_0, %arg0 : i32
    %mul3A_1 = arith.constant 512 : i32
    %mul3A_2 = arith.muli %add3A, %mul3A_1 : i32
    %add3A_3 = arith.constant 0 : i32
    %add3A_4 = arith.addi %mul3A_2, %add3A_3 : i32
    %dma_start3A = arith.constant 0 : i32
    %dma_start3A_5 = tpu.memref_slice %arg2[%add3A_4, %dma_start3A] : memref<16384x1024xf32, #tpu.memory_space<hbm>> -> memref<40x1024xf32, #tpu.memory_space<hbm>>
    %dma_start3A_6 = arith.constant 0 : i32
    %dma_start3A_7 = tpu.memref_slice %arg2[%add3A_4, %dma_start3A_6] : memref<16384x1024xf32, #tpu.memory_space<hbm>> -> memref<40x1024xf32, #tpu.memory_space<hbm>>
    tpu.enqueue_dma source(%dma_start3A_7 : memref<40x1024xf32, #tpu.memory_space<hbm>>) target(%arg4 : memref<40x1024xf32, #tpu.memory_space<vmem>>) target_semaphore(%arg7 : memref<!tpu.dma_semaphore, #tpu.memory_space<semaphore_mem>>)
    %add3A_8 = arith.constant 40 : i32
    %add3A_9 = arith.addi %mul3A_2, %add3A_8 : i32
    %dma_start3A_10 = arith.constant 0 : i32
    %dma_start3A_11 = tpu.memref_slice %arg2[%add3A_9, %dma_start3A_10] : memref<16384x1024xf32, #tpu.memory_space<hbm>> -> memref<40x1024xf32, #tpu.memory_space<hbm>>
    %dma_start3A_12 = arith.constant 0 : i32
    %dma_start3A_13 = tpu.memref_slice %arg2[%add3A_9, %dma_start3A_12] : memref<16384x1024xf32, #tpu.memory_space<hbm>> -> memref<40x1024xf32, #tpu.memory_space<hbm>>
    tpu.enqueue_dma source(%dma_start3A_13 : memref<40x1024xf32, #tpu.memory_space<hbm>>) target(%arg5 : memref<40x1024xf32, #tpu.memory_space<vmem>>) target_semaphore(%arg7 : memref<!tpu.dma_semaphore, #tpu.memory_space<semaphore_mem>>)
    %dma_wait3A = arith.constant 0 : i32
    %dma_wait3A_14 = tpu.memref_slice %arg2[%add3A_4, %dma_wait3A] : memref<16384x1024xf32, #tpu.memory_space<hbm>> -> memref<40x1024xf32, #tpu.memory_space<hbm>>
    %dma_wait3A_15 = arith.constant 0 : i32
    %dma_wait3A_16 = tpu.memref_slice %arg2[%add3A_4, %dma_wait3A_15] : memref<16384x1024xf32, #tpu.memory_space<hbm>> -> memref<40x1024xf32, #tpu.memory_space<hbm>>
    tpu.wait_dma2 semaphore(%arg7 : memref<!tpu.dma_semaphore, #tpu.memory_space<semaphore_mem>>) src(%dma_wait3A_16 : memref<40x1024xf32, #tpu.memory_space<hbm>>) dst(%arg4 : memref<40x1024xf32, #tpu.memory_space<vmem>>)
    %add3A_17 = arith.constant 0 : i32
    %add3A_18 = arith.addi %mul3A_2, %add3A_17 : i32
    %dma_start3A_19 = arith.constant 0 : i32
    %dma_start3A_20 = tpu.memref_slice %arg3[%add3A_18, %dma_start3A_19] : memref<16384x1024xf32, #tpu.memory_space<hbm>> -> memref<40x1024xf32, #tpu.memory_space<hbm>>
    %dma_start3A_21 = arith.constant 0 : i32
    %dma_start3A_22 = tpu.memref_slice %arg3[%add3A_18, %dma_start3A_21] : memref<16384x1024xf32, #tpu.memory_space<hbm>> -> memref<40x1024xf32, #tpu.memory_space<hbm>>
    tpu.enqueue_dma source(%arg4 : memref<40x1024xf32, #tpu.memory_space<vmem>>) target(%dma_start3A_22 : memref<40x1024xf32, #tpu.memory_space<hbm>>) target_semaphore(%arg8 : memref<!tpu.dma_semaphore, #tpu.memory_space<semaphore_mem>>)
    %add3A_23 = arith.constant 80 : i32
    %add3A_24 = arith.addi %mul3A_2, %add3A_23 : i32
    %dma_start3A_25 = arith.constant 0 : i32
    %dma_start3A_26 = tpu.memref_slice %arg2[%add3A_24, %dma_start3A_25] : memref<16384x1024xf32, #tpu.memory_space<hbm>> -> memref<40x1024xf32, #tpu.memory_space<hbm>>
    %dma_start3A_27 = arith.constant 0 : i32
    %dma_start3A_28 = tpu.memref_slice %arg2[%add3A_24, %dma_start3A_27] : memref<16384x1024xf32, #tpu.memory_space<hbm>> -> memref<40x1024xf32, #tpu.memory_space<hbm>>
    tpu.enqueue_dma source(%dma_start3A_28 : memref<40x1024xf32, #tpu.memory_space<hbm>>) target(%arg6 : memref<40x1024xf32, #tpu.memory_space<vmem>>) target_semaphore(%arg7 : memref<!tpu.dma_semaphore, #tpu.memory_space<semaphore_mem>>)
    %dma_wait3A_29 = arith.constant 0 : i32
    %dma_wait3A_30 = tpu.memref_slice %arg2[%add3A_9, %dma_wait3A_29] : memref<16384x1024xf32, #tpu.memory_space<hbm>> -> memref<40x1024xf32, #tpu.memory_space<hbm>>
    %dma_wait3A_31 = arith.constant 0 : i32
    %dma_wait3A_32 = tpu.memref_slice %arg2[%add3A_9, %dma_wait3A_31] : memref<16384x1024xf32, #tpu.memory_space<hbm>> -> memref<40x1024xf32, #tpu.memory_space<hbm>>
    tpu.wait_dma2 semaphore(%arg7 : memref<!tpu.dma_semaphore, #tpu.memory_space<semaphore_mem>>) src(%dma_wait3A_32 : memref<40x1024xf32, #tpu.memory_space<hbm>>) dst(%arg5 : memref<40x1024xf32, #tpu.memory_space<vmem>>)
    %add3A_33 = arith.constant 40 : i32
    %add3A_34 = arith.addi %mul3A_2, %add3A_33 : i32
    %dma_start3A_35 = arith.constant 0 : i32
    %dma_start3A_36 = tpu.memref_slice %arg3[%add3A_34, %dma_start3A_35] : memref<16384x1024xf32, #tpu.memory_space<hbm>> -> memref<40x1024xf32, #tpu.memory_space<hbm>>
    %dma_start3A_37 = arith.constant 0 : i32
    %dma_start3A_38 = tpu.memref_slice %arg3[%add3A_34, %dma_start3A_37] : memref<16384x1024xf32, #tpu.memory_space<hbm>> -> memref<40x1024xf32, #tpu.memory_space<hbm>>
    tpu.enqueue_dma source(%arg5 : memref<40x1024xf32, #tpu.memory_space<vmem>>) target(%dma_start3A_38 : memref<40x1024xf32, #tpu.memory_space<hbm>>) target_semaphore(%arg8 : memref<!tpu.dma_semaphore, #tpu.memory_space<semaphore_mem>>)
    %dma_wait3A_39 = arith.constant 0 : i32
    %dma_wait3A_40 = tpu.memref_slice %arg3[%add3A_18, %dma_wait3A_39] : memref<16384x1024xf32, #tpu.memory_space<hbm>> -> memref<40x1024xf32, #tpu.memory_space<hbm>>
    %dma_wait3A_41 = arith.constant 0 : i32
    %dma_wait3A_42 = tpu.memref_slice %arg3[%add3A_18, %dma_wait3A_41] : memref<16384x1024xf32, #tpu.memory_space<hbm>> -> memref<40x1024xf32, #tpu.memory_space<hbm>>
    tpu.wait_dma2 semaphore(%arg8 : memref<!tpu.dma_semaphore, #tpu.memory_space<semaphore_mem>>) src(%arg4 : memref<40x1024xf32, #tpu.memory_space<vmem>>) dst(%dma_wait3A_42 : memref<40x1024xf32, #tpu.memory_space<hbm>>)
    %add3A_43 = arith.constant 120 : i32
    %add3A_44 = arith.addi %mul3A_2, %add3A_43 : i32
    %dma_start3A_45 = arith.constant 0 : i32
    %dma_start3A_46 = tpu.memref_slice %arg2[%add3A_44, %dma_start3A_45] : memref<16384x1024xf32, #tpu.memory_space<hbm>> -> memref<40x1024xf32, #tpu.memory_space<hbm>>
    %dma_start3A_47 = arith.constant 0 : i32
    %dma_start3A_48 = tpu.memref_slice %arg2[%add3A_44, %dma_start3A_47] : memref<16384x1024xf32, #tpu.memory_space<hbm>> -> memref<40x1024xf32, #tpu.memory_space<hbm>>
    tpu.enqueue_dma source(%dma_start3A_48 : memref<40x1024xf32, #tpu.memory_space<hbm>>) target(%arg4 : memref<40x1024xf32, #tpu.memory_space<vmem>>) target_semaphore(%arg7 : memref<!tpu.dma_semaphore, #tpu.memory_space<semaphore_mem>>)
    %dma_wait3A_49 = arith.constant 0 : i32
    %dma_wait3A_50 = tpu.memref_slice %arg2[%add3A_24, %dma_wait3A_49] : memref<16384x1024xf32, #tpu.memory_space<hbm>> -> memref<40x1024xf32, #tpu.memory_space<hbm>>
    %dma_wait3A_51 = arith.constant 0 : i32
    %dma_wait3A_52 = tpu.memref_slice %arg2[%add3A_24, %dma_wait3A_51] : memref<16384x1024xf32, #tpu.memory_space<hbm>> -> memref<40x1024xf32, #tpu.memory_space<hbm>>
    tpu.wait_dma2 semaphore(%arg7 : memref<!tpu.dma_semaphore, #tpu.memory_space<semaphore_mem>>) src(%dma_wait3A_52 : memref<40x1024xf32, #tpu.memory_space<hbm>>) dst(%arg6 : memref<40x1024xf32, #tpu.memory_space<vmem>>)
    %add3A_53 = arith.constant 80 : i32
    %add3A_54 = arith.addi %mul3A_2, %add3A_53 : i32
    %dma_start3A_55 = arith.constant 0 : i32
    %dma_start3A_56 = tpu.memref_slice %arg3[%add3A_54, %dma_start3A_55] : memref<16384x1024xf32, #tpu.memory_space<hbm>> -> memref<40x1024xf32, #tpu.memory_space<hbm>>
    %dma_start3A_57 = arith.constant 0 : i32
    %dma_start3A_58 = tpu.memref_slice %arg3[%add3A_54, %dma_start3A_57] : memref<16384x1024xf32, #tpu.memory_space<hbm>> -> memref<40x1024xf32, #tpu.memory_space<hbm>>
    tpu.enqueue_dma source(%arg6 : memref<40x1024xf32, #tpu.memory_space<vmem>>) target(%dma_start3A_58 : memref<40x1024xf32, #tpu.memory_space<hbm>>) target_semaphore(%arg8 : memref<!tpu.dma_semaphore, #tpu.memory_space<semaphore_mem>>)
    %dma_wait3A_59 = arith.constant 0 : i32
    %dma_wait3A_60 = tpu.memref_slice %arg3[%add3A_34, %dma_wait3A_59] : memref<16384x1024xf32, #tpu.memory_space<hbm>> -> memref<40x1024xf32, #tpu.memory_space<hbm>>
    %dma_wait3A_61 = arith.constant 0 : i32
    %dma_wait3A_62 = tpu.memref_slice %arg3[%add3A_34, %dma_wait3A_61] : memref<16384x1024xf32, #tpu.memory_space<hbm>> -> memref<40x1024xf32, #tpu.memory_space<hbm>>
    tpu.wait_dma2 semaphore(%arg8 : memref<!tpu.dma_semaphore, #tpu.memory_space<semaphore_mem>>) src(%arg5 : memref<40x1024xf32, #tpu.memory_space<vmem>>) dst(%dma_wait3A_62 : memref<40x1024xf32, #tpu.memory_space<hbm>>)
    %add3A_63 = arith.constant 160 : i32
    %add3A_64 = arith.addi %mul3A_2, %add3A_63 : i32
    %dma_start3A_65 = arith.constant 0 : i32
    %dma_start3A_66 = tpu.memref_slice %arg2[%add3A_64, %dma_start3A_65] : memref<16384x1024xf32, #tpu.memory_space<hbm>> -> memref<40x1024xf32, #tpu.memory_space<hbm>>
    %dma_start3A_67 = arith.constant 0 : i32
    %dma_start3A_68 = tpu.memref_slice %arg2[%add3A_64, %dma_start3A_67] : memref<16384x1024xf32, #tpu.memory_space<hbm>> -> memref<40x1024xf32, #tpu.memory_space<hbm>>
    tpu.enqueue_dma source(%dma_start3A_68 : memref<40x1024xf32, #tpu.memory_space<hbm>>) target(%arg5 : memref<40x1024xf32, #tpu.memory_space<vmem>>) target_semaphore(%arg7 : memref<!tpu.dma_semaphore, #tpu.memory_space<semaphore_mem>>)
    %dma_wait3A_69 = arith.constant 0 : i32
    %dma_wait3A_70 = tpu.memref_slice %arg2[%add3A_44, %dma_wait3A_69] : memref<16384x1024xf32, #tpu.memory_space<hbm>> -> memref<40x1024xf32, #tpu.memory_space<hbm>>
    %dma_wait3A_71 = arith.constant 0 : i32
    %dma_wait3A_72 = tpu.memref_slice %arg2[%add3A_44, %dma_wait3A_71] : memref<16384x1024xf32, #tpu.memory_space<hbm>> -> memref<40x1024xf32, #tpu.memory_space<hbm>>
    tpu.wait_dma2 semaphore(%arg7 : memref<!tpu.dma_semaphore, #tpu.memory_space<semaphore_mem>>) src(%dma_wait3A_72 : memref<40x1024xf32, #tpu.memory_space<hbm>>) dst(%arg4 : memref<40x1024xf32, #tpu.memory_space<vmem>>)
    %add3A_73 = arith.constant 120 : i32
    %add3A_74 = arith.addi %mul3A_2, %add3A_73 : i32
    %dma_start3A_75 = arith.constant 0 : i32
    %dma_start3A_76 = tpu.memref_slice %arg3[%add3A_74, %dma_start3A_75] : memref<16384x1024xf32, #tpu.memory_space<hbm>> -> memref<40x1024xf32, #tpu.memory_space<hbm>>
    %dma_start3A_77 = arith.constant 0 : i32
    %dma_start3A_78 = tpu.memref_slice %arg3[%add3A_74, %dma_start3A_77] : memref<16384x1024xf32, #tpu.memory_space<hbm>> -> memref<40x1024xf32, #tpu.memory_space<hbm>>
    tpu.enqueue_dma source(%arg4 : memref<40x1024xf32, #tpu.memory_space<vmem>>) target(%dma_start3A_78 : memref<40x1024xf32, #tpu.memory_space<hbm>>) target_semaphore(%arg8 : memref<!tpu.dma_semaphore, #tpu.memory_space<semaphore_mem>>)
    %dma_wait3A_79 = arith.constant 0 : i32
    %dma_wait3A_80 = tpu.memref_slice %arg3[%add3A_54, %dma_wait3A_79] : memref<16384x1024xf32, #tpu.memory_space<hbm>> -> memref<40x1024xf32, #tpu.memory_space<hbm>>
    %dma_wait3A_81 = arith.constant 0 : i32
    %dma_wait3A_82 = tpu.memref_slice %arg3[%add3A_54, %dma_wait3A_81] : memref<16384x1024xf32, #tpu.memory_space<hbm>> -> memref<40x1024xf32, #tpu.memory_space<hbm>>
    tpu.wait_dma2 semaphore(%arg8 : memref<!tpu.dma_semaphore, #tpu.memory_space<semaphore_mem>>) src(%arg6 : memref<40x1024xf32, #tpu.memory_space<vmem>>) dst(%dma_wait3A_82 : memref<40x1024xf32, #tpu.memory_space<hbm>>)
    %add3A_83 = arith.constant 200 : i32
    %add3A_84 = arith.addi %mul3A_2, %add3A_83 : i32
    %dma_start3A_85 = arith.constant 0 : i32
    %dma_start3A_86 = tpu.memref_slice %arg2[%add3A_84, %dma_start3A_85] : memref<16384x1024xf32, #tpu.memory_space<hbm>> -> memref<40x1024xf32, #tpu.memory_space<hbm>>
    %dma_start3A_87 = arith.constant 0 : i32
    %dma_start3A_88 = tpu.memref_slice %arg2[%add3A_84, %dma_start3A_87] : memref<16384x1024xf32, #tpu.memory_space<hbm>> -> memref<40x1024xf32, #tpu.memory_space<hbm>>
    tpu.enqueue_dma source(%dma_start3A_88 : memref<40x1024xf32, #tpu.memory_space<hbm>>) target(%arg6 : memref<40x1024xf32, #tpu.memory_space<vmem>>) target_semaphore(%arg7 : memref<!tpu.dma_semaphore, #tpu.memory_space<semaphore_mem>>)
    %dma_wait3A_89 = arith.constant 0 : i32
    %dma_wait3A_90 = tpu.memref_slice %arg2[%add3A_64, %dma_wait3A_89] : memref<16384x1024xf32, #tpu.memory_space<hbm>> -> memref<40x1024xf32, #tpu.memory_space<hbm>>
    %dma_wait3A_91 = arith.constant 0 : i32
    %dma_wait3A_92 = tpu.memref_slice %arg2[%add3A_64, %dma_wait3A_91] : memref<16384x1024xf32, #tpu.memory_space<hbm>> -> memref<40x1024xf32, #tpu.memory_space<hbm>>
    tpu.wait_dma2 semaphore(%arg7 : memref<!tpu.dma_semaphore, #tpu.memory_space<semaphore_mem>>) src(%dma_wait3A_92 : memref<40x1024xf32, #tpu.memory_space<hbm>>) dst(%arg5 : memref<40x1024xf32, #tpu.memory_space<vmem>>)
    %add3A_93 = arith.constant 160 : i32
    %add3A_94 = arith.addi %mul3A_2, %add3A_93 : i32
    %dma_start3A_95 = arith.constant 0 : i32
    %dma_start3A_96 = tpu.memref_slice %arg3[%add3A_94, %dma_start3A_95] : memref<16384x1024xf32, #tpu.memory_space<hbm>> -> memref<40x1024xf32, #tpu.memory_space<hbm>>
    %dma_start3A_97 = arith.constant 0 : i32
    %dma_start3A_98 = tpu.memref_slice %arg3[%add3A_94, %dma_start3A_97] : memref<16384x1024xf32, #tpu.memory_space<hbm>> -> memref<40x1024xf32, #tpu.memory_space<hbm>>
    tpu.enqueue_dma source(%arg5 : memref<40x1024xf32, #tpu.memory_space<vmem>>) target(%dma_start3A_98 : memref<40x1024xf32, #tpu.memory_space<hbm>>) target_semaphore(%arg8 : memref<!tpu.dma_semaphore, #tpu.memory_space<semaphore_mem>>)
    %dma_wait3A_99 = arith.constant 0 : i32
    %dma_wait3A_100 = tpu.memref_slice %arg3[%add3A_74, %dma_wait3A_99] : memref<16384x1024xf32, #tpu.memory_space<hbm>> -> memref<40x1024xf32, #tpu.memory_space<hbm>>
    %dma_wait3A_101 = arith.constant 0 : i32
    %dma_wait3A_102 = tpu.memref_slice %arg3[%add3A_74, %dma_wait3A_101] : memref<16384x1024xf32, #tpu.memory_space<hbm>> -> memref<40x1024xf32, #tpu.memory_space<hbm>>
    tpu.wait_dma2 semaphore(%arg8 : memref<!tpu.dma_semaphore, #tpu.memory_space<semaphore_mem>>) src(%arg4 : memref<40x1024xf32, #tpu.memory_space<vmem>>) dst(%dma_wait3A_102 : memref<40x1024xf32, #tpu.memory_space<hbm>>)
    %add3A_103 = arith.constant 240 : i32
    %add3A_104 = arith.addi %mul3A_2, %add3A_103 : i32
    %dma_start3A_105 = arith.constant 0 : i32
    %dma_start3A_106 = tpu.memref_slice %arg2[%add3A_104, %dma_start3A_105] : memref<16384x1024xf32, #tpu.memory_space<hbm>> -> memref<40x1024xf32, #tpu.memory_space<hbm>>
    %dma_start3A_107 = arith.constant 0 : i32
    %dma_start3A_108 = tpu.memref_slice %arg2[%add3A_104, %dma_start3A_107] : memref<16384x1024xf32, #tpu.memory_space<hbm>> -> memref<40x1024xf32, #tpu.memory_space<hbm>>
    tpu.enqueue_dma source(%dma_start3A_108 : memref<40x1024xf32, #tpu.memory_space<hbm>>) target(%arg4 : memref<40x1024xf32, #tpu.memory_space<vmem>>) target_semaphore(%arg7 : memref<!tpu.dma_semaphore, #tpu.memory_space<semaphore_mem>>)
    %dma_wait3A_109 = arith.constant 0 : i32
    %dma_wait3A_110 = tpu.memref_slice %arg2[%add3A_84, %dma_wait3A_109] : memref<16384x1024xf32, #tpu.memory_space<hbm>> -> memref<40x1024xf32, #tpu.memory_space<hbm>>
    %dma_wait3A_111 = arith.constant 0 : i32
    %dma_wait3A_112 = tpu.memref_slice %arg2[%add3A_84, %dma_wait3A_111] : memref<16384x1024xf32, #tpu.memory_space<hbm>> -> memref<40x1024xf32, #tpu.memory_space<hbm>>
    tpu.wait_dma2 semaphore(%arg7 : memref<!tpu.dma_semaphore, #tpu.memory_space<semaphore_mem>>) src(%dma_wait3A_112 : memref<40x1024xf32, #tpu.memory_space<hbm>>) dst(%arg6 : memref<40x1024xf32, #tpu.memory_space<vmem>>)
    %add3A_113 = arith.constant 200 : i32
    %add3A_114 = arith.addi %mul3A_2, %add3A_113 : i32
    %dma_start3A_115 = arith.constant 0 : i32
    %dma_start3A_116 = tpu.memref_slice %arg3[%add3A_114, %dma_start3A_115] : memref<16384x1024xf32, #tpu.memory_space<hbm>> -> memref<40x1024xf32, #tpu.memory_space<hbm>>
    %dma_start3A_117 = arith.constant 0 : i32
    %dma_start3A_118 = tpu.memref_slice %arg3[%add3A_114, %dma_start3A_117] : memref<16384x1024xf32, #tpu.memory_space<hbm>> -> memref<40x1024xf32, #tpu.memory_space<hbm>>
    tpu.enqueue_dma source(%arg6 : memref<40x1024xf32, #tpu.memory_space<vmem>>) target(%dma_start3A_118 : memref<40x1024xf32, #tpu.memory_space<hbm>>) target_semaphore(%arg8 : memref<!tpu.dma_semaphore, #tpu.memory_space<semaphore_mem>>)
    %dma_wait3A_119 = arith.constant 0 : i32
    %dma_wait3A_120 = tpu.memref_slice %arg3[%add3A_94, %dma_wait3A_119] : memref<16384x1024xf32, #tpu.memory_space<hbm>> -> memref<40x1024xf32, #tpu.memory_space<hbm>>
    %dma_wait3A_121 = arith.constant 0 : i32
    %dma_wait3A_122 = tpu.memref_slice %arg3[%add3A_94, %dma_wait3A_121] : memref<16384x1024xf32, #tpu.memory_space<hbm>> -> memref<40x1024xf32, #tpu.memory_space<hbm>>
    tpu.wait_dma2 semaphore(%arg8 : memref<!tpu.dma_semaphore, #tpu.memory_space<semaphore_mem>>) src(%arg5 : memref<40x1024xf32, #tpu.memory_space<vmem>>) dst(%dma_wait3A_122 : memref<40x1024xf32, #tpu.memory_space<hbm>>)
    %add3A_123 = arith.constant 280 : i32
    %add3A_124 = arith.addi %mul3A_2, %add3A_123 : i32
    %dma_start3A_125 = arith.constant 0 : i32
    %dma_start3A_126 = tpu.memref_slice %arg2[%add3A_124, %dma_start3A_125] : memref<16384x1024xf32, #tpu.memory_space<hbm>> -> memref<40x1024xf32, #tpu.memory_space<hbm>>
    %dma_start3A_127 = arith.constant 0 : i32
    %dma_start3A_128 = tpu.memref_slice %arg2[%add3A_124, %dma_start3A_127] : memref<16384x1024xf32, #tpu.memory_space<hbm>> -> memref<40x1024xf32, #tpu.memory_space<hbm>>
    tpu.enqueue_dma source(%dma_start3A_128 : memref<40x1024xf32, #tpu.memory_space<hbm>>) target(%arg5 : memref<40x1024xf32, #tpu.memory_space<vmem>>) target_semaphore(%arg7 : memref<!tpu.dma_semaphore, #tpu.memory_space<semaphore_mem>>)
    %dma_wait3A_129 = arith.constant 0 : i32
    %dma_wait3A_130 = tpu.memref_slice %arg2[%add3A_104, %dma_wait3A_129] : memref<16384x1024xf32, #tpu.memory_space<hbm>> -> memref<40x1024xf32, #tpu.memory_space<hbm>>
    %dma_wait3A_131 = arith.constant 0 : i32
    %dma_wait3A_132 = tpu.memref_slice %arg2[%add3A_104, %dma_wait3A_131] : memref<16384x1024xf32, #tpu.memory_space<hbm>> -> memref<40x1024xf32, #tpu.memory_space<hbm>>
    tpu.wait_dma2 semaphore(%arg7 : memref<!tpu.dma_semaphore, #tpu.memory_space<semaphore_mem>>) src(%dma_wait3A_132 : memref<40x1024xf32, #tpu.memory_space<hbm>>) dst(%arg4 : memref<40x1024xf32, #tpu.memory_space<vmem>>)
    %add3A_133 = arith.constant 240 : i32
    %add3A_134 = arith.addi %mul3A_2, %add3A_133 : i32
    %dma_start3A_135 = arith.constant 0 : i32
    %dma_start3A_136 = tpu.memref_slice %arg3[%add3A_134, %dma_start3A_135] : memref<16384x1024xf32, #tpu.memory_space<hbm>> -> memref<40x1024xf32, #tpu.memory_space<hbm>>
    %dma_start3A_137 = arith.constant 0 : i32
    %dma_start3A_138 = tpu.memref_slice %arg3[%add3A_134, %dma_start3A_137] : memref<16384x1024xf32, #tpu.memory_space<hbm>> -> memref<40x1024xf32, #tpu.memory_space<hbm>>
    tpu.enqueue_dma source(%arg4 : memref<40x1024xf32, #tpu.memory_space<vmem>>) target(%dma_start3A_138 : memref<40x1024xf32, #tpu.memory_space<hbm>>) target_semaphore(%arg8 : memref<!tpu.dma_semaphore, #tpu.memory_space<semaphore_mem>>)
    %dma_wait3A_139 = arith.constant 0 : i32
    %dma_wait3A_140 = tpu.memref_slice %arg3[%add3A_114, %dma_wait3A_139] : memref<16384x1024xf32, #tpu.memory_space<hbm>> -> memref<40x1024xf32, #tpu.memory_space<hbm>>
    %dma_wait3A_141 = arith.constant 0 : i32
    %dma_wait3A_142 = tpu.memref_slice %arg3[%add3A_114, %dma_wait3A_141] : memref<16384x1024xf32, #tpu.memory_space<hbm>> -> memref<40x1024xf32, #tpu.memory_space<hbm>>
    tpu.wait_dma2 semaphore(%arg8 : memref<!tpu.dma_semaphore, #tpu.memory_space<semaphore_mem>>) src(%arg6 : memref<40x1024xf32, #tpu.memory_space<vmem>>) dst(%dma_wait3A_142 : memref<40x1024xf32, #tpu.memory_space<hbm>>)
    %add3A_143 = arith.constant 320 : i32
    %add3A_144 = arith.addi %mul3A_2, %add3A_143 : i32
    %dma_start3A_145 = arith.constant 0 : i32
    %dma_start3A_146 = tpu.memref_slice %arg2[%add3A_144, %dma_start3A_145] : memref<16384x1024xf32, #tpu.memory_space<hbm>> -> memref<40x1024xf32, #tpu.memory_space<hbm>>
    %dma_start3A_147 = arith.constant 0 : i32
    %dma_start3A_148 = tpu.memref_slice %arg2[%add3A_144, %dma_start3A_147] : memref<16384x1024xf32, #tpu.memory_space<hbm>> -> memref<40x1024xf32, #tpu.memory_space<hbm>>
    tpu.enqueue_dma source(%dma_start3A_148 : memref<40x1024xf32, #tpu.memory_space<hbm>>) target(%arg6 : memref<40x1024xf32, #tpu.memory_space<vmem>>) target_semaphore(%arg7 : memref<!tpu.dma_semaphore, #tpu.memory_space<semaphore_mem>>)
    %dma_wait3A_149 = arith.constant 0 : i32
    %dma_wait3A_150 = tpu.memref_slice %arg2[%add3A_124, %dma_wait3A_149] : memref<16384x1024xf32, #tpu.memory_space<hbm>> -> memref<40x1024xf32, #tpu.memory_space<hbm>>
    %dma_wait3A_151 = arith.constant 0 : i32
    %dma_wait3A_152 = tpu.memref_slice %arg2[%add3A_124, %dma_wait3A_151] : memref<16384x1024xf32, #tpu.memory_space<hbm>> -> memref<40x1024xf32, #tpu.memory_space<hbm>>
    tpu.wait_dma2 semaphore(%arg7 : memref<!tpu.dma_semaphore, #tpu.memory_space<semaphore_mem>>) src(%dma_wait3A_152 : memref<40x1024xf32, #tpu.memory_space<hbm>>) dst(%arg5 : memref<40x1024xf32, #tpu.memory_space<vmem>>)
    %add3A_153 = arith.constant 280 : i32
    %add3A_154 = arith.addi %mul3A_2, %add3A_153 : i32
    %dma_start3A_155 = arith.constant 0 : i32
    %dma_start3A_156 = tpu.memref_slice %arg3[%add3A_154, %dma_start3A_155] : memref<16384x1024xf32, #tpu.memory_space<hbm>> -> memref<40x1024xf32, #tpu.memory_space<hbm>>
    %dma_start3A_157 = arith.constant 0 : i32
    %dma_start3A_158 = tpu.memref_slice %arg3[%add3A_154, %dma_start3A_157] : memref<16384x1024xf32, #tpu.memory_space<hbm>> -> memref<40x1024xf32, #tpu.memory_space<hbm>>
    tpu.enqueue_dma source(%arg5 : memref<40x1024xf32, #tpu.memory_space<vmem>>) target(%dma_start3A_158 : memref<40x1024xf32, #tpu.memory_space<hbm>>) target_semaphore(%arg8 : memref<!tpu.dma_semaphore, #tpu.memory_space<semaphore_mem>>)
    %dma_wait3A_159 = arith.constant 0 : i32
    %dma_wait3A_160 = tpu.memref_slice %arg3[%add3A_134, %dma_wait3A_159] : memref<16384x1024xf32, #tpu.memory_space<hbm>> -> memref<40x1024xf32, #tpu.memory_space<hbm>>
    %dma_wait3A_161 = arith.constant 0 : i32
    %dma_wait3A_162 = tpu.memref_slice %arg3[%add3A_134, %dma_wait3A_161] : memref<16384x1024xf32, #tpu.memory_space<hbm>> -> memref<40x1024xf32, #tpu.memory_space<hbm>>
    tpu.wait_dma2 semaphore(%arg8 : memref<!tpu.dma_semaphore, #tpu.memory_space<semaphore_mem>>) src(%arg4 : memref<40x1024xf32, #tpu.memory_space<vmem>>) dst(%dma_wait3A_162 : memref<40x1024xf32, #tpu.memory_space<hbm>>)
    %add3A_163 = arith.constant 360 : i32
    %add3A_164 = arith.addi %mul3A_2, %add3A_163 : i32
    %dma_start3A_165 = arith.constant 0 : i32
    %dma_start3A_166 = tpu.memref_slice %arg2[%add3A_164, %dma_start3A_165] : memref<16384x1024xf32, #tpu.memory_space<hbm>> -> memref<40x1024xf32, #tpu.memory_space<hbm>>
    %dma_start3A_167 = arith.constant 0 : i32
    %dma_start3A_168 = tpu.memref_slice %arg2[%add3A_164, %dma_start3A_167] : memref<16384x1024xf32, #tpu.memory_space<hbm>> -> memref<40x1024xf32, #tpu.memory_space<hbm>>
    tpu.enqueue_dma source(%dma_start3A_168 : memref<40x1024xf32, #tpu.memory_space<hbm>>) target(%arg4 : memref<40x1024xf32, #tpu.memory_space<vmem>>) target_semaphore(%arg7 : memref<!tpu.dma_semaphore, #tpu.memory_space<semaphore_mem>>)
    %dma_wait3A_169 = arith.constant 0 : i32
    %dma_wait3A_170 = tpu.memref_slice %arg2[%add3A_144, %dma_wait3A_169] : memref<16384x1024xf32, #tpu.memory_space<hbm>> -> memref<40x1024xf32, #tpu.memory_space<hbm>>
    %dma_wait3A_171 = arith.constant 0 : i32
    %dma_wait3A_172 = tpu.memref_slice %arg2[%add3A_144, %dma_wait3A_171] : memref<16384x1024xf32, #tpu.memory_space<hbm>> -> memref<40x1024xf32, #tpu.memory_space<hbm>>
    tpu.wait_dma2 semaphore(%arg7 : memref<!tpu.dma_semaphore, #tpu.memory_space<semaphore_mem>>) src(%dma_wait3A_172 : memref<40x1024xf32, #tpu.memory_space<hbm>>) dst(%arg6 : memref<40x1024xf32, #tpu.memory_space<vmem>>)
    %add3A_173 = arith.constant 320 : i32
    %add3A_174 = arith.addi %mul3A_2, %add3A_173 : i32
    %dma_start3A_175 = arith.constant 0 : i32
    %dma_start3A_176 = tpu.memref_slice %arg3[%add3A_174, %dma_start3A_175] : memref<16384x1024xf32, #tpu.memory_space<hbm>> -> memref<40x1024xf32, #tpu.memory_space<hbm>>
    %dma_start3A_177 = arith.constant 0 : i32
    %dma_start3A_178 = tpu.memref_slice %arg3[%add3A_174, %dma_start3A_177] : memref<16384x1024xf32, #tpu.memory_space<hbm>> -> memref<40x1024xf32, #tpu.memory_space<hbm>>
    tpu.enqueue_dma source(%arg6 : memref<40x1024xf32, #tpu.memory_space<vmem>>) target(%dma_start3A_178 : memref<40x1024xf32, #tpu.memory_space<hbm>>) target_semaphore(%arg8 : memref<!tpu.dma_semaphore, #tpu.memory_space<semaphore_mem>>)
    %dma_wait3A_179 = arith.constant 0 : i32
    %dma_wait3A_180 = tpu.memref_slice %arg3[%add3A_154, %dma_wait3A_179] : memref<16384x1024xf32, #tpu.memory_space<hbm>> -> memref<40x1024xf32, #tpu.memory_space<hbm>>
    %dma_wait3A_181 = arith.constant 0 : i32
    %dma_wait3A_182 = tpu.memref_slice %arg3[%add3A_154, %dma_wait3A_181] : memref<16384x1024xf32, #tpu.memory_space<hbm>> -> memref<40x1024xf32, #tpu.memory_space<hbm>>
    tpu.wait_dma2 semaphore(%arg8 : memref<!tpu.dma_semaphore, #tpu.memory_space<semaphore_mem>>) src(%arg5 : memref<40x1024xf32, #tpu.memory_space<vmem>>) dst(%dma_wait3A_182 : memref<40x1024xf32, #tpu.memory_space<hbm>>)
    %add3A_183 = arith.constant 400 : i32
    %add3A_184 = arith.addi %mul3A_2, %add3A_183 : i32
    %dma_start3A_185 = arith.constant 0 : i32
    %dma_start3A_186 = tpu.memref_slice %arg2[%add3A_184, %dma_start3A_185] : memref<16384x1024xf32, #tpu.memory_space<hbm>> -> memref<40x1024xf32, #tpu.memory_space<hbm>>
    %dma_start3A_187 = arith.constant 0 : i32
    %dma_start3A_188 = tpu.memref_slice %arg2[%add3A_184, %dma_start3A_187] : memref<16384x1024xf32, #tpu.memory_space<hbm>> -> memref<40x1024xf32, #tpu.memory_space<hbm>>
    tpu.enqueue_dma source(%dma_start3A_188 : memref<40x1024xf32, #tpu.memory_space<hbm>>) target(%arg5 : memref<40x1024xf32, #tpu.memory_space<vmem>>) target_semaphore(%arg7 : memref<!tpu.dma_semaphore, #tpu.memory_space<semaphore_mem>>)
    %dma_wait3A_189 = arith.constant 0 : i32
    %dma_wait3A_190 = tpu.memref_slice %arg2[%add3A_164, %dma_wait3A_189] : memref<16384x1024xf32, #tpu.memory_space<hbm>> -> memref<40x1024xf32, #tpu.memory_space<hbm>>
    %dma_wait3A_191 = arith.constant 0 : i32
    %dma_wait3A_192 = tpu.memref_slice %arg2[%add3A_164, %dma_wait3A_191] : memref<16384x1024xf32, #tpu.memory_space<hbm>> -> memref<40x1024xf32, #tpu.memory_space<hbm>>
    tpu.wait_dma2 semaphore(%arg7 : memref<!tpu.dma_semaphore, #tpu.memory_space<semaphore_mem>>) src(%dma_wait3A_192 : memref<40x1024xf32, #tpu.memory_space<hbm>>) dst(%arg4 : memref<40x1024xf32, #tpu.memory_space<vmem>>)
    %add3A_193 = arith.constant 360 : i32
    %add3A_194 = arith.addi %mul3A_2, %add3A_193 : i32
    %dma_start3A_195 = arith.constant 0 : i32
    %dma_start3A_196 = tpu.memref_slice %arg3[%add3A_194, %dma_start3A_195] : memref<16384x1024xf32, #tpu.memory_space<hbm>> -> memref<40x1024xf32, #tpu.memory_space<hbm>>
    %dma_start3A_197 = arith.constant 0 : i32
    %dma_start3A_198 = tpu.memref_slice %arg3[%add3A_194, %dma_start3A_197] : memref<16384x1024xf32, #tpu.memory_space<hbm>> -> memref<40x1024xf32, #tpu.memory_space<hbm>>
    tpu.enqueue_dma source(%arg4 : memref<40x1024xf32, #tpu.memory_space<vmem>>) target(%dma_start3A_198 : memref<40x1024xf32, #tpu.memory_space<hbm>>) target_semaphore(%arg8 : memref<!tpu.dma_semaphore, #tpu.memory_space<semaphore_mem>>)
    %dma_wait3A_199 = arith.constant 0 : i32
    %dma_wait3A_200 = tpu.memref_slice %arg3[%add3A_174, %dma_wait3A_199] : memref<16384x1024xf32, #tpu.memory_space<hbm>> -> memref<40x1024xf32, #tpu.memory_space<hbm>>
    %dma_wait3A_201 = arith.constant 0 : i32
    %dma_wait3A_202 = tpu.memref_slice %arg3[%add3A_174, %dma_wait3A_201] : memref<16384x1024xf32, #tpu.memory_space<hbm>> -> memref<40x1024xf32, #tpu.memory_space<hbm>>
    tpu.wait_dma2 semaphore(%arg8 : memref<!tpu.dma_semaphore, #tpu.memory_space<semaphore_mem>>) src(%arg6 : memref<40x1024xf32, #tpu.memory_space<vmem>>) dst(%dma_wait3A_202 : memref<40x1024xf32, #tpu.memory_space<hbm>>)
    %add3A_203 = arith.constant 440 : i32
    %add3A_204 = arith.addi %mul3A_2, %add3A_203 : i32
    %dma_start3A_205 = arith.constant 0 : i32
    %dma_start3A_206 = tpu.memref_slice %arg2[%add3A_204, %dma_start3A_205] : memref<16384x1024xf32, #tpu.memory_space<hbm>> -> memref<40x1024xf32, #tpu.memory_space<hbm>>
    %dma_start3A_207 = arith.constant 0 : i32
    %dma_start3A_208 = tpu.memref_slice %arg2[%add3A_204, %dma_start3A_207] : memref<16384x1024xf32, #tpu.memory_space<hbm>> -> memref<40x1024xf32, #tpu.memory_space<hbm>>
    tpu.enqueue_dma source(%dma_start3A_208 : memref<40x1024xf32, #tpu.memory_space<hbm>>) target(%arg6 : memref<40x1024xf32, #tpu.memory_space<vmem>>) target_semaphore(%arg7 : memref<!tpu.dma_semaphore, #tpu.memory_space<semaphore_mem>>)
    %dma_wait3A_209 = arith.constant 0 : i32
    %dma_wait3A_210 = tpu.memref_slice %arg2[%add3A_184, %dma_wait3A_209] : memref<16384x1024xf32, #tpu.memory_space<hbm>> -> memref<40x1024xf32, #tpu.memory_space<hbm>>
    %dma_wait3A_211 = arith.constant 0 : i32
    %dma_wait3A_212 = tpu.memref_slice %arg2[%add3A_184, %dma_wait3A_211] : memref<16384x1024xf32, #tpu.memory_space<hbm>> -> memref<40x1024xf32, #tpu.memory_space<hbm>>
    tpu.wait_dma2 semaphore(%arg7 : memref<!tpu.dma_semaphore, #tpu.memory_space<semaphore_mem>>) src(%dma_wait3A_212 : memref<40x1024xf32, #tpu.memory_space<hbm>>) dst(%arg5 : memref<40x1024xf32, #tpu.memory_space<vmem>>)
    %add3A_213 = arith.constant 400 : i32
    %add3A_214 = arith.addi %mul3A_2, %add3A_213 : i32
    %dma_start3A_215 = arith.constant 0 : i32
    %dma_start3A_216 = tpu.memref_slice %arg3[%add3A_214, %dma_start3A_215] : memref<16384x1024xf32, #tpu.memory_space<hbm>> -> memref<40x1024xf32, #tpu.memory_space<hbm>>
    %dma_start3A_217 = arith.constant 0 : i32
    %dma_start3A_218 = tpu.memref_slice %arg3[%add3A_214, %dma_start3A_217] : memref<16384x1024xf32, #tpu.memory_space<hbm>> -> memref<40x1024xf32, #tpu.memory_space<hbm>>
    tpu.enqueue_dma source(%arg5 : memref<40x1024xf32, #tpu.memory_space<vmem>>) target(%dma_start3A_218 : memref<40x1024xf32, #tpu.memory_space<hbm>>) target_semaphore(%arg8 : memref<!tpu.dma_semaphore, #tpu.memory_space<semaphore_mem>>)
    %dma_wait3A_219 = arith.constant 0 : i32
    %dma_wait3A_220 = tpu.memref_slice %arg2[%add3A_204, %dma_wait3A_219] : memref<16384x1024xf32, #tpu.memory_space<hbm>> -> memref<40x1024xf32, #tpu.memory_space<hbm>>
    %dma_wait3A_221 = arith.constant 0 : i32
    %dma_wait3A_222 = tpu.memref_slice %arg2[%add3A_204, %dma_wait3A_221] : memref<16384x1024xf32, #tpu.memory_space<hbm>> -> memref<40x1024xf32, #tpu.memory_space<hbm>>
    tpu.wait_dma2 semaphore(%arg7 : memref<!tpu.dma_semaphore, #tpu.memory_space<semaphore_mem>>) src(%dma_wait3A_222 : memref<40x1024xf32, #tpu.memory_space<hbm>>) dst(%arg6 : memref<40x1024xf32, #tpu.memory_space<vmem>>)
    %add3A_223 = arith.constant 440 : i32
    %add3A_224 = arith.addi %mul3A_2, %add3A_223 : i32
    %dma_start3A_225 = arith.constant 0 : i32
    %dma_start3A_226 = tpu.memref_slice %arg3[%add3A_224, %dma_start3A_225] : memref<16384x1024xf32, #tpu.memory_space<hbm>> -> memref<40x1024xf32, #tpu.memory_space<hbm>>
    %dma_start3A_227 = arith.constant 0 : i32
    %dma_start3A_228 = tpu.memref_slice %arg3[%add3A_224, %dma_start3A_227] : memref<16384x1024xf32, #tpu.memory_space<hbm>> -> memref<40x1024xf32, #tpu.memory_space<hbm>>
    tpu.enqueue_dma source(%arg6 : memref<40x1024xf32, #tpu.memory_space<vmem>>) target(%dma_start3A_228 : memref<40x1024xf32, #tpu.memory_space<hbm>>) target_semaphore(%arg8 : memref<!tpu.dma_semaphore, #tpu.memory_space<semaphore_mem>>)
    %dma_wait3A_229 = arith.constant 0 : i32
    %dma_wait3A_230 = tpu.memref_slice %arg3[%add3A_194, %dma_wait3A_229] : memref<16384x1024xf32, #tpu.memory_space<hbm>> -> memref<40x1024xf32, #tpu.memory_space<hbm>>
    %dma_wait3A_231 = arith.constant 0 : i32
    %dma_wait3A_232 = tpu.memref_slice %arg3[%add3A_194, %dma_wait3A_231] : memref<16384x1024xf32, #tpu.memory_space<hbm>> -> memref<40x1024xf32, #tpu.memory_space<hbm>>
    tpu.wait_dma2 semaphore(%arg8 : memref<!tpu.dma_semaphore, #tpu.memory_space<semaphore_mem>>) src(%arg4 : memref<40x1024xf32, #tpu.memory_space<vmem>>) dst(%dma_wait3A_232 : memref<40x1024xf32, #tpu.memory_space<hbm>>)
    %dma_wait3A_233 = arith.constant 0 : i32
    %dma_wait3A_234 = tpu.memref_slice %arg3[%add3A_214, %dma_wait3A_233] : memref<16384x1024xf32, #tpu.memory_space<hbm>> -> memref<40x1024xf32, #tpu.memory_space<hbm>>
    %dma_wait3A_235 = arith.constant 0 : i32
    %dma_wait3A_236 = tpu.memref_slice %arg3[%add3A_214, %dma_wait3A_235] : memref<16384x1024xf32, #tpu.memory_space<hbm>> -> memref<40x1024xf32, #tpu.memory_space<hbm>>
    tpu.wait_dma2 semaphore(%arg8 : memref<!tpu.dma_semaphore, #tpu.memory_space<semaphore_mem>>) src(%arg5 : memref<40x1024xf32, #tpu.memory_space<vmem>>) dst(%dma_wait3A_236 : memref<40x1024xf32, #tpu.memory_space<hbm>>)
    %dma_wait3A_237 = arith.constant 0 : i32
    %dma_wait3A_238 = tpu.memref_slice %arg3[%add3A_224, %dma_wait3A_237] : memref<16384x1024xf32, #tpu.memory_space<hbm>> -> memref<40x1024xf32, #tpu.memory_space<hbm>>
    %dma_wait3A_239 = arith.constant 0 : i32
    %dma_wait3A_240 = tpu.memref_slice %arg3[%add3A_224, %dma_wait3A_239] : memref<16384x1024xf32, #tpu.memory_space<hbm>> -> memref<40x1024xf32, #tpu.memory_space<hbm>>
    tpu.wait_dma2 semaphore(%arg8 : memref<!tpu.dma_semaphore, #tpu.memory_space<semaphore_mem>>) src(%arg6 : memref<40x1024xf32, #tpu.memory_space<vmem>>) dst(%dma_wait3A_240 : memref<40x1024xf32, #tpu.memory_space<hbm>>)
    %add3A_241 = arith.constant 480 : i32
    %add3A_242 = arith.addi %mul3A_2, %add3A_241 : i32
    %dma_start3A_243 = arith.constant 0 : i32
    %dma_start3A_244 = arith.constant 0 : i32
    %dma_start3A_245 = tpu.memref_slice %arg4[%dma_start3A_243, %dma_start3A_244] : memref<40x1024xf32, #tpu.memory_space<vmem>> -> memref<32x1024xf32, #tpu.memory_space<vmem>>
    %dma_start3A_246 = arith.constant 0 : i32
    %dma_start3A_247 = tpu.memref_slice %arg2[%add3A_242, %dma_start3A_246] : memref<16384x1024xf32, #tpu.memory_space<hbm>> -> memref<32x1024xf32, #tpu.memory_space<hbm>>
    %dma_start3A_248 = arith.constant 0 : i32
    %dma_start3A_249 = arith.constant 0 : i32
    %dma_start3A_250 = tpu.memref_slice %arg4[%dma_start3A_248, %dma_start3A_249] : memref<40x1024xf32, #tpu.memory_space<vmem>> -> memref<32x1024xf32, #tpu.memory_space<vmem>>
    %dma_start3A_251 = arith.constant 0 : i32
    %dma_start3A_252 = tpu.memref_slice %arg2[%add3A_242, %dma_start3A_251] : memref<16384x1024xf32, #tpu.memory_space<hbm>> -> memref<32x1024xf32, #tpu.memory_space<hbm>>
    tpu.enqueue_dma source(%dma_start3A_252 : memref<32x1024xf32, #tpu.memory_space<hbm>>) target(%dma_start3A_250 : memref<32x1024xf32, #tpu.memory_space<vmem>>) target_semaphore(%arg7 : memref<!tpu.dma_semaphore, #tpu.memory_space<semaphore_mem>>)
    %dma_wait3A_253 = arith.constant 0 : i32
    %dma_wait3A_254 = arith.constant 0 : i32
    %dma_wait3A_255 = tpu.memref_slice %arg4[%dma_wait3A_253, %dma_wait3A_254] : memref<40x1024xf32, #tpu.memory_space<vmem>> -> memref<32x1024xf32, #tpu.memory_space<vmem>>
    %dma_wait3A_256 = arith.constant 0 : i32
    %dma_wait3A_257 = tpu.memref_slice %arg2[%add3A_242, %dma_wait3A_256] : memref<16384x1024xf32, #tpu.memory_space<hbm>> -> memref<32x1024xf32, #tpu.memory_space<hbm>>
    %dma_wait3A_258 = arith.constant 0 : i32
    %dma_wait3A_259 = arith.constant 0 : i32
    %dma_wait3A_260 = tpu.memref_slice %arg4[%dma_wait3A_258, %dma_wait3A_259] : memref<40x1024xf32, #tpu.memory_space<vmem>> -> memref<32x1024xf32, #tpu.memory_space<vmem>>
    %dma_wait3A_261 = arith.constant 0 : i32
    %dma_wait3A_262 = tpu.memref_slice %arg2[%add3A_242, %dma_wait3A_261] : memref<16384x1024xf32, #tpu.memory_space<hbm>> -> memref<32x1024xf32, #tpu.memory_space<hbm>>
    tpu.wait_dma2 semaphore(%arg7 : memref<!tpu.dma_semaphore, #tpu.memory_space<semaphore_mem>>) src(%dma_wait3A_262 : memref<32x1024xf32, #tpu.memory_space<hbm>>) dst(%dma_wait3A_260 : memref<32x1024xf32, #tpu.memory_space<vmem>>)
    %dma_start3A_263 = arith.constant 0 : i32
    %dma_start3A_264 = arith.constant 0 : i32
    %dma_start3A_265 = tpu.memref_slice %arg4[%dma_start3A_263, %dma_start3A_264] : memref<40x1024xf32, #tpu.memory_space<vmem>> -> memref<32x1024xf32, #tpu.memory_space<vmem>>
    %dma_start3A_266 = arith.constant 0 : i32
    %dma_start3A_267 = tpu.memref_slice %arg3[%add3A_242, %dma_start3A_266] : memref<16384x1024xf32, #tpu.memory_space<hbm>> -> memref<32x1024xf32, #tpu.memory_space<hbm>>
    %dma_start3A_268 = arith.constant 0 : i32
    %dma_start3A_269 = tpu.memref_slice %arg3[%add3A_242, %dma_start3A_268] : memref<16384x1024xf32, #tpu.memory_space<hbm>> -> memref<32x1024xf32, #tpu.memory_space<hbm>>
    %dma_start3A_270 = arith.constant 0 : i32
    %dma_start3A_271 = arith.constant 0 : i32
    %dma_start3A_272 = tpu.memref_slice %arg4[%dma_start3A_270, %dma_start3A_271] : memref<40x1024xf32, #tpu.memory_space<vmem>> -> memref<32x1024xf32, #tpu.memory_space<vmem>>
    tpu.enqueue_dma source(%dma_start3A_272 : memref<32x1024xf32, #tpu.memory_space<vmem>>) target(%dma_start3A_269 : memref<32x1024xf32, #tpu.memory_space<hbm>>) target_semaphore(%arg8 : memref<!tpu.dma_semaphore, #tpu.memory_space<semaphore_mem>>)
    %dma_wait3A_273 = arith.constant 0 : i32
    %dma_wait3A_274 = arith.constant 0 : i32
    %dma_wait3A_275 = tpu.memref_slice %arg4[%dma_wait3A_273, %dma_wait3A_274] : memref<40x1024xf32, #tpu.memory_space<vmem>> -> memref<32x1024xf32, #tpu.memory_space<vmem>>
    %dma_wait3A_276 = arith.constant 0 : i32
    %dma_wait3A_277 = tpu.memref_slice %arg3[%add3A_242, %dma_wait3A_276] : memref<16384x1024xf32, #tpu.memory_space<hbm>> -> memref<32x1024xf32, #tpu.memory_space<hbm>>
    %dma_wait3A_278 = arith.constant 0 : i32
    %dma_wait3A_279 = tpu.memref_slice %arg3[%add3A_242, %dma_wait3A_278] : memref<16384x1024xf32, #tpu.memory_space<hbm>> -> memref<32x1024xf32, #tpu.memory_space<hbm>>
    %dma_wait3A_280 = arith.constant 0 : i32
    %dma_wait3A_281 = arith.constant 0 : i32
    %dma_wait3A_282 = tpu.memref_slice %arg4[%dma_wait3A_280, %dma_wait3A_281] : memref<40x1024xf32, #tpu.memory_space<vmem>> -> memref<32x1024xf32, #tpu.memory_space<vmem>>
    tpu.wait_dma2 semaphore(%arg8 : memref<!tpu.dma_semaphore, #tpu.memory_space<semaphore_mem>>) src(%dma_wait3A_282 : memref<32x1024xf32, #tpu.memory_space<vmem>>) dst(%dma_wait3A_279 : memref<32x1024xf32, #tpu.memory_space<hbm>>)
    return
  }
}

</mosaic_0001>

<sc_bundles>
// kernel: kernel.3.cloned.1.call-start
scs
__scs_entry_jumppad:
0x0: {  	(pc) =	sbr.rel $0x88, $3  }
0x1: {  	(tag) =	ssettag $0x0;
	lr =	simm.s32 $0x1  }
0x2: {  	[smem:$0x3FA0] =	sst lr;
	_ =	strace $0xD0000000  }
0x3: {  	_ = 	snop  }
0x4: {  	_ = 	snop  }
0x5: {  	_ = 	snop  }
0x6: {  	_ = 	snop  }
0x7: {  	_ = 	snop  }
__scs_overlays_trampoline_lowered:
0x8: {  	[smem:$0x3FAF] =	sst s0  }
0x9: {  	[smem:$0x3FB0] =	sst s1  }
0xa: {  	[smem:$0x3FB1] =	sst s2  }
0xb: {  	[smem:$0x3FB2] =	sst s3  }
0xc: {  	[smem:$0x3FB3] =	sst s4  }
0xd: {  	[smem:$0x3FB4] =	sst s5  }
0xe: {  	[smem:$0x3FB5] =	sst s6  }
0xf: {  	[smem:$0x3FB6] =	sst s7  }
0x10: {  	[smem:$0x3FB7] =	sst s8  }
0x11: {  	[smem:$0x3FB8] =	sst s9;
	s0 =	simm.s32 @!p0 $0x0  }
0x12: {  	s1 =	sld [smem:$0x3F9E];
	s0 =	simm.s32 @p0 $0x1  }
0x13: {  	[smem:$0x3FB9] =	sst s0;
	s0 =	simm.s32 @!p1 $0x0  }
0x14: {  	s2 =	sld [smem:$0x3F9D];
	s0 =	simm.s32 @p1 $0x1  }
0x15: {  	[smem:$0x3FBA] =	sst s0;
	s0 =	simm.s32 @!p2 $0x0  }
0x16: {  	s3 =	sld [smem:$0x3FDB];
	s0 =	simm.s32 @p2 $0x1  }
0x17: {  	s4 =	simm.s32 $0x1BF5;
	[smem:$0x3FBC] =	sst s0  }
0x18: {  	s0 =	sld [smem:$0x3F9F];
	_ =	swait.ge [sflag:s4], $0x0  }
0x19: {  	s7 =	sld [smem:$0x3FA0]  }
0x1a: {  	s8 =	sadd.s32 $0xFFFFE003, lr  }
0x1b: {  	s9 =	sadd.s32 $0xFFFFFEF7, lr;
	s5 =	simm.s32 $0xFFFFFFFF;
	p2 =	slt.u32 s8, $0xFFFFF086  }
0x1c: {  	p1 =	slt.u32 s9, $0xF7A;
	s5 =	simm.s32 @!p2 $0x0  }
0x1d: {  	s5 =	simm.s32 @p1 $0x1;
	p0 =	seq.s32 s7, s2  }
0x1e: {  	s7 =	smul.u32 @!p0 $0xF7A, s2;
	p2 =	seq.s32 @!p0 s5, $0x0  }
0x1f: {  	s9 =	smul.u32 $0xF7A, s1;
	s8 =	simm.s32 @!p0 $0x1BF5;
	p2 =	por !p2, p0  }
0x20: {  	[sflag:s8] =	ssyncset.s32 @!p0 $0xFFFFF086;
	s6 =	sadd.s32 @!p0 s3, s7;
	s7 =	simm.s32 @!p0 $0x108  }
0x21: {  	s3 =	sadd.s32 s3, s9;
	s6 =	sadd.s32 @!p0 $0x88, s6;
	s7 =	simm.s32 @p2 $0x1082  }
0x22: {  	[simem:s7], [sflag:s8] =	dma.local @!p0 [hbm:s6], $0xF7A  }
0x23: {  	s9 =	sor.u32 $0xD0000000, s2;
	s6 =	simm.s32 $0x108;
	_ =	swait.ge @!p0 [sflag:s8], $0x0  }
0x24: {  	s3 =	sadd.s32 $0x88, s3;
	s6 =	simm.s32 @!p1 $0x1082;
	[sflag:s4] =	ssyncset.s32 $0xFFFFF086  }
0x25: {  	[simem:s6], [sflag:s4] =	dma.local [hbm:s3], $0xF7A  }
0x26: {  	[smem:$0x3FA0] =	sst s1;
	(tag) =	ssettag s2;
	_ =	strace s9  }
0x27: {  	s1 =	sld [smem:$0x3FB0]  }
0x28: {  	s2 =	sld [smem:$0x3FB1]  }
0x29: {  	s4 =	sld [smem:$0x3FB3]  }
0x2a: {  	p0 =	seq.s32 s5, $0x0;
	s5 =	sld [smem:$0x3FB4]  }
0x2b: {  	s6 =	sld [smem:$0x3FB5]  }
0x2c: {  	s7 =	sld [smem:$0x3FB6]  }
0x2d: {  	s3 =	simm.s32 $0x108;
	s8 =	sld [smem:$0x3FB7]  }
0x2e: {  	s3 =	simm.s32 @!p0 $0x1082;
	s9 =	sld [smem:$0x3FB8]  }
0x2f: {  	lr =	sadd.s32 s0, s3;
	s0 =	sld [smem:$0x3FAF]  }
0x30: {  	s3 =	sld [smem:$0x3FB2]  }
0x31: {  	[smem:$0x3FBB] =	sst s10  }
0x32: {  	s10 =	sld [smem:$0x3FB9];
	_ =	sdelay $0x3  }
0x33: {  	p0 =	seq.s32 s10, $0x1;
	s10 =	sld [smem:$0x3FBB];
	_ =	sdelay $0x3  }
0x34: {  	[smem:$0x3FBB] =	sst s10  }
0x35: {  	s10 =	sld [smem:$0x3FBA];
	_ =	sdelay $0x3  }
0x36: {  	p1 =	seq.s32 s10, $0x1;
	s10 =	sld [smem:$0x3FBB];
	_ =	sdelay $0x3  }
0x37: {  	[smem:$0x3FBB] =	sst s10  }
0x38: {  	s10 =	sld [smem:$0x3FBC]  }
0x39: {  	_ = 	snop;
	(pc) =	sbr.ind lr, $3  }
0x3a: {  	_ = 	snop  }
0x3b: {  	_ = 	snop  }
0x3c: {  	p2 =	seq.s32 s10, $0x1;
	s10 =	sld [smem:$0x3FBB]  }
0x3d: {  	_ =	shalt  }
0x3e: {  	_ =	shalt  }
0x3f: {  	_ =	shalt  }
0x40: {  	_ =	shalt  }
0x41: {  	_ =	shalt  }
0x42: {  	_ =	shalt  }
0x43: {  	_ =	shalt  }
0x44: {  	_ =	shalt  }
0x45: {  	_ =	shalt  }
0x46: {  	_ =	shalt  }
0x47: {  	_ =	shalt  }
0x48: {  	_ =	shalt  }
0x49: {  	_ =	shalt  }
0x4a: {  	_ =	shalt  }
0x4b: {  	_ =	shalt  }
0x4c: {  	_ =	shalt  }
0x4d: {  	_ =	shalt  }
0x4e: {  	_ =	shalt  }
0x4f: {  	_ =	shalt  }
0x50: {  	_ =	shalt  }
0x51: {  	_ =	shalt  }
0x52: {  	_ =	shalt  }
0x53: {  	_ =	shalt  }
0x54: {  	_ =	shalt  }
0x55: {  	_ =	shalt  }
0x56: {  	_ =	shalt  }
0x57: {  	_ =	shalt  }
0x58: {  	_ =	shalt  }
0x59: {  	_ =	shalt  }
0x5a: {  	_ =	shalt  }
0x5b: {  	_ =	shalt  }
0x5c: {  	_ =	shalt  }
0x5d: {  	_ =	shalt  }
0x5e: {  	_ =	shalt  }
0x5f: {  	_ =	shalt  }
0x60: {  	_ =	shalt  }
0x61: {  	_ =	shalt  }
0x62: {  	_ =	shalt  }
0x63: {  	_ =	shalt  }
0x64: {  	_ =	shalt  }
0x65: {  	_ =	shalt  }
0x66: {  	_ =	shalt  }
0x67: {  	_ =	shalt  }
0x68: {  	_ =	shalt  }
0x69: {  	_ =	shalt  }
0x6a: {  	_ =	shalt  }
0x6b: {  	_ =	shalt  }
0x6c: {  	_ =	shalt  }
0x6d: {  	_ =	shalt  }
0x6e: {  	_ =	shalt  }
0x6f: {  	_ =	shalt  }
0x70: {  	_ =	shalt  }
0x71: {  	_ =	shalt  }
0x72: {  	_ =	shalt  }
0x73: {  	_ =	shalt  }
0x74: {  	_ =	shalt  }
0x75: {  	_ =	shalt  }
0x76: {  	_ =	shalt  }
0x77: {  	_ =	shalt  }
0x78: {  	_ =	shalt  }
0x79: {  	_ =	shalt  }
0x7a: {  	_ =	shalt  }
0x7b: {  	_ =	shalt  }
0x7c: {  	_ =	shalt  }
0x7d: {  	_ =	shalt  }
0x7e: {  	_ =	shalt  }
0x7f: {  	_ =	shalt  }
0x80: {  	_ =	shalt  }
0x81: {  	_ =	shalt  }
0x82: {  	_ =	shalt  }
0x83: {  	_ =	shalt  }
0x84: {  	_ =	shalt  }
0x85: {  	_ =	shalt  }
0x86: {  	_ =	shalt  }
0x87: {  	_ =	shalt  }
.Lfunc_end0:
.L_simem_size_0:
called_computation_lowered:
.L_overlay_start_0:
0x88: {  	s2 =	sld [smem:$0x3FD9]  }
0x89: {  	s3 =	sld [smem:$0x3FFE];
	_ =	sdelay $0x1  }
0x8a: {  	s1 =	srdreg.scid  }
0x8b: {  	s0 =	sand.u32 $0x1, s1  }
0x8c: {  	s15 =	sshll.u32 s0, $0xA;
	s2 =	sadd.s32 s3, s2  }
0x8d: {  	s2 =	sadd.s32 s2, s15  }
0x8e: {  	[smem:$0x3FC7] =	sst s2  }
0x8f: {  	_ = 	snop  }
0x90: {  	s2 =	sld [smem:$0x3FD0];
	_ =	sdelay $0x2  }
0x91: {  	s4 =	simm.s32 $0xA;
	s5 =	simm.s32 $0x10;
	s16 =	sld [smem:$0x3FC9]  }
0x92: {  	[smem:s5], [sflag:s4] =	dma.local [hbm:s2], $0x1  }
0x93: {  	_ =	swait.eq [sflag:s4], $0x1  }
0x94: {  	[sflag:s4] =	ssyncset.done $0x0  }
0x95: {  	[sflag:s4] =	ssyncadd.s32 $0xFFFFFFFF  }
0x96: {  	s17 =	sld [smem:$0x10];
	(tm) =	ssettm $0x1  }
0x97: {  	s18 =	sld [smem:$0x3FFB];
	_ =	sdelay $0x3  }
0x98: {  	_ =	strace s18  }
0x99: {  	s4 =	sld [smem:$0x3FFC];
	_ =	sdelay $0x3  }
0x9a: {  	_ =	strace s4  }
0x9b: {  	s4 =	sld [smem:$0x3FFD];
	_ =	sdelay $0x3  }
0x9c: {  	_ =	strace s4  }
0x9d: {  	_ =	strace $0x8FFFFFFF  }
0x9e: {  	s19 =	sld [smem:$0x3FDB];
	_ =	sdelay $0x1  }
0x9f: {  	s20 =	simm.s32 $_scs_section_size  }
0xa0: {  	s6 =	simm.s32 $_size__tile_overlayer_lowered;
	s7 =	simm.s32 $_tile_overlayer_lowered  }
0xa1: {  	s23 =	simm.s32 $0x1BFF;
	s22 =	sshll.u32 s7, $0x1;
	s4 =	sadd.s32 s20, s19  }
0xa2: {  	s8 =	simm.s32 $0x0;
	s21 =	sshll.u32 s6, $0x1;
	s6 =	sadd.s32 s22, s4  }
0xa3: {  	[timem:s8], [sflag:s23] =	dma.local [hbm:s6], s21  }
0xa4: {  	_ =	swait.ge [sflag:s23], s21  }
0xa5: {  	s5 =	ssub.s32 $0x0, s21;
	[sflag:s23] =	ssyncset.done $0x0  }
0xa6: {  	[sflag:s23] =	ssyncadd.s32 s5;
	_ =	sdelay $0x1  }
0xa7: {  	s24 =	simm.s32 $0x1B8B  }
0xa8: {  	_ =	swait.ge [sflag:s24], $0x1  }
0xa9: {  	[sflag:s24] =	ssyncset.done $0x0  }
0xaa: {  	s25 =	simm.s32 $0x1B8E;
	[sflag:s24] =	ssyncadd.s32 $0xFFFFFFFF  }
0xab: {  	s26 =	simm.s32 $execute0_lowered;
	[smem:$0x3FD2] =	sst s25  }
0xac: {  	s5 =	sshll.u32 s26, $0x1;
	_ =	strace $0x80000046;
	[dreg:$0x1] =	wrdreg $0xFFFFFFFF  }
0xad: {  	s28 =	simm.s32 $_size_execute0_lowered;
	s4 =	sadd.s32 s4, s5;
	[dreg:$0x0] =	wrdreg $0x0  }
0xae: {  	s5 =	sshll.u32 s28, $0x1;
	[dreg:$0x2] =	wrdreg s4  }
0xaf: {  	[dreg:$0x3] =	wrdreg s5  }
0xb0: {  	[dreg:$0x4] =	wrdreg $0xC0  }
0xb1: {  	_ =	task [dreg:s8], $0x5FFFF  }
0xb2: {  	[dreg:$0x1] =	wrdreg $0xFFFFFFFF  }
0xb3: {  	[dreg:$0x0] =	wrdreg $0x60  }
0xb4: {  	[dreg:$0x2] =	wrdreg s16  }
0xb5: {  	[dreg:$0x3] =	wrdreg s17  }
0xb6: {  	[dreg:$0x4] =	wrdreg $0x9  }
0xb7: {  	_ =	task.clear_ibuf [dreg:s8], $0x5FFFF;
	_ =	strace $0x90000046  }
0xb8: {  	s29 =	simm.s32 $0x9;
	_ =	strace $0x80000048  }
0xb9: {  	_ =	swait.ge [sflag:s29], $0x1  }
0xba: {  	[sflag:s29] =	ssyncadd.s32 $0xFFFFFFFF  }
0xbb: {  	_ =	strace $0x90000048  }
0xbc: {  	_ =	sfence  }
0xbd: {  	s30 =	sld [smem:$0x0];
	_ =	sdelay $0x2  }
0xbe: {  	s31 =	sshll.u32 s1, $0xD;
	s1 =	sshrl.u32 s1, $0x2  }
0xbf: {  	s3 =	sand.u32 $0x4000, s31;
	s1 =	sadd.s32 s1, s30  }
0xc0: {  	s0 =	sor.u32 s3, s0;
	s1 =	sshll.u32 s1, $0x11  }
0xc1: {  	s0 =	sor.u32 s1, s0  }
0xc2: {  	s0 =	sadd.s32 $0x8F2B, s0  }
0xc3: {  	[sflag:s0] =	ssyncadd.remote.s32 $0x1  }
0xc4: {  	_ =	sfence.sel $0xFFFF  }
0xc5: {  	[dreg:$0x0] =	wrdreg $0xFFFFFFFF;
	(pc) =	sbr.abs _section_cstart, $3  }
0xc6: {  	[dreg:$0x1] =	wrdreg $0xFFFFFFFF  }
0xc7: {  	_ =	task.clear_ibuf [dreg:s8], $0x2FFFF;
	_ =	strace $0x9FFFFFFF  }
0xc8: {  	(tm) =	ssettm $0x7FFFFFFF  }
0xc9: {  	_ =	shalt  }
tec
execute0_lowered:
.L_overlay_start_1:
0x0: {  	(tag) =	ssettag $0x1  }
0x1: {  	s1 =	srdreg.scid  }
0x2: {  	s0 =	stileid.u32;
	s31 =	sand.u32 $0x1, s1  }
0x3: {  	s30 =	rddreg [dreg:$0x0];
	s23 =	sshll.u32 s0, $0x11;
	s3 =	sshll.u32 s31, $0x10  }
0x4: {  	s6 =	rddreg [dreg:$0x1];
	s2 =	simm.s32 $0x0;
	s1 =	sor.u32 s3, s23  }
0x5: {  	[smem:$0x7FF] =	sst s2;
	s3 =	sadd.s32 s30, s1  }
0x6: {  	_ =	strace $0x80000047;
	s8 =	sor.u32 $0x1400, s1;
	[dreg:$0x3] =	wrdreg s3  }
0x7: {  	s24 =	sadd.s32 s30, s8;
	s4 =	rddreg [dreg:$0x3]  }
0x8: {  	[dreg:$0x4] =	wrdreg s24  }
0x9: {  	[tilespmem:s2], [sflag:$0x1] =	stream.linear.gather [hbm4b:s4+s2], $0xA000, $0x38;
	[tilespmem:$0x1E000] =	vst v63  }
0xa: {  	s3 =	simm.s32 $0xA000;
	s5 =	rddreg [dreg:$0x4];
	s4 =	simm.s32 $0x1  }
0xb: {  	[tilespmem:s3], [sflag:$0x1] =	stream.linear.gather [hbm4b:s5+s2], $0xA000, $0x38;
	[tilespmem:$0x1E000] =	vst v63  }
0xc: {  	_ =	swait.ge [sflag:s4], $0xA000  }
0xd: {  	[sflag:s4] =	ssyncset.done $0x0  }
0xe: {  	s25 =	sadd.s32 s6, s1;
	s11 =	sor.u32 $0x2800, s1;
	[sflag:s4] =	ssyncadd.s32 $0xFFFF6000  }
0xf: {  	[hbm4b:s25+s2] =	stream.linear.scatter [tilespmem:s2], [sflag:$0x2], $0xA000, $0x38;
	[tilespmem:$0x1E000] =	vst v63  }
0x10: {  	s7 =	simm.s32 $0x14000;
	s26 =	sadd.s32 s30, s11;
	[dreg:$0x5] =	wrdreg s25  }
0x11: {  	[tilespmem:s7], [sflag:$0x1] =	stream.linear.gather [hbm4b:s26+s2], $0xA000, $0x38;
	[tilespmem:$0x1E000] =	vst v63  }
0x12: {  	_ =	swait.ge [sflag:s4], $0xA000  }
0x13: {  	s5 =	smov.u32 s6;
	[sflag:s4] =	ssyncset.done $0x0  }
0x14: {  	s9 =	sadd.s32 s5, s8;
	s8 =	simm.s32 $0x2;
	[sflag:s4] =	ssyncadd.s32 $0xFFFF6000  }
0x15: {  	[hbm4b:s9+s2] =	stream.linear.scatter [tilespmem:s3], [sflag:$0x2], $0xA000, $0x38;
	[tilespmem:$0x1E000] =	vst v63  }
0x16: {  	_ =	swait.ge [sflag:s8], $0xA000  }
0x17: {  	s13 =	sor.u32 $0x3C00, s1;
	[sflag:s8] =	ssyncset.done $0x0  }
0x18: {  	s10 =	sadd.s32 s30, s13;
	[sflag:s8] =	ssyncadd.s32 $0xFFFF6000  }
0x19: {  	[tilespmem:s2], [sflag:$0x1] =	stream.linear.gather [hbm4b:s10+s2], $0xA000, $0x38;
	[tilespmem:$0x1E000] =	vst v63  }
0x1a: {  	_ =	swait.ge [sflag:s4], $0xA000  }
0x1b: {  	[sflag:s4] =	ssyncset.done $0x0  }
0x1c: {  	s11 =	sadd.s32 s5, s11;
	[sflag:s4] =	ssyncadd.s32 $0xFFFF6000  }
0x1d: {  	[hbm4b:s11+s2] =	stream.linear.scatter [tilespmem:s7], [sflag:$0x2], $0xA000, $0x38;
	[tilespmem:$0x1E000] =	vst v63  }
0x1e: {  	_ =	swait.ge [sflag:s8], $0xA000  }
0x1f: {  	s15 =	sor.u32 $0x5000, s1;
	[sflag:s8] =	ssyncset.done $0x0  }
0x20: {  	s12 =	sadd.s32 s30, s15;
	[sflag:s8] =	ssyncadd.s32 $0xFFFF6000  }
0x21: {  	[tilespmem:s3], [sflag:$0x1] =	stream.linear.gather [hbm4b:s12+s2], $0xA000, $0x38;
	[tilespmem:$0x1E000] =	vst v63  }
0x22: {  	_ =	swait.ge [sflag:s4], $0xA000  }
0x23: {  	[sflag:s4] =	ssyncset.done $0x0  }
0x24: {  	s13 =	sadd.s32 s5, s13;
	[sflag:s4] =	ssyncadd.s32 $0xFFFF6000  }
0x25: {  	[hbm4b:s13+s2] =	stream.linear.scatter [tilespmem:s2], [sflag:$0x2], $0xA000, $0x38;
	[tilespmem:$0x1E000] =	vst v63  }
0x26: {  	_ =	swait.ge [sflag:s8], $0xA000  }
0x27: {  	s17 =	sor.u32 $0x6400, s1;
	[sflag:s8] =	ssyncset.done $0x0  }
0x28: {  	s14 =	sadd.s32 s30, s17;
	[sflag:s8] =	ssyncadd.s32 $0xFFFF6000  }
0x29: {  	[tilespmem:s7], [sflag:$0x1] =	stream.linear.gather [hbm4b:s14+s2], $0xA000, $0x38;
	[tilespmem:$0x1E000] =	vst v63  }
0x2a: {  	_ =	swait.ge [sflag:s4], $0xA000  }
0x2b: {  	[sflag:s4] =	ssyncset.done $0x0  }
0x2c: {  	s15 =	sadd.s32 s5, s15;
	[sflag:s4] =	ssyncadd.s32 $0xFFFF6000  }
0x2d: {  	[hbm4b:s15+s2] =	stream.linear.scatter [tilespmem:s3], [sflag:$0x2], $0xA000, $0x38;
	[tilespmem:$0x1E000] =	vst v63  }
0x2e: {  	_ =	swait.ge [sflag:s8], $0xA000  }
0x2f: {  	s19 =	sor.u32 $0x7800, s1;
	[sflag:s8] =	ssyncset.done $0x0  }
0x30: {  	s16 =	sadd.s32 s30, s19;
	[sflag:s8] =	ssyncadd.s32 $0xFFFF6000  }
0x31: {  	[tilespmem:s2], [sflag:$0x1] =	stream.linear.gather [hbm4b:s16+s2], $0xA000, $0x38;
	[tilespmem:$0x1E000] =	vst v63  }
0x32: {  	_ =	swait.ge [sflag:s4], $0xA000  }
0x33: {  	[sflag:s4] =	ssyncset.done $0x0  }
0x34: {  	s17 =	sadd.s32 s5, s17;
	[sflag:s4] =	ssyncadd.s32 $0xFFFF6000  }
0x35: {  	[hbm4b:s17+s2] =	stream.linear.scatter [tilespmem:s7], [sflag:$0x2], $0xA000, $0x38;
	[tilespmem:$0x1E000] =	vst v63  }
0x36: {  	_ =	swait.ge [sflag:s8], $0xA000  }
0x37: {  	s21 =	sor.u32 $0x8C00, s1;
	[sflag:s8] =	ssyncset.done $0x0  }
0x38: {  	s18 =	sadd.s32 s30, s21;
	[sflag:s8] =	ssyncadd.s32 $0xFFFF6000  }
0x39: {  	[tilespmem:s3], [sflag:$0x1] =	stream.linear.gather [hbm4b:s18+s2], $0xA000, $0x38;
	[tilespmem:$0x1E000] =	vst v63  }
0x3a: {  	_ =	swait.ge [sflag:s4], $0xA000  }
0x3b: {  	[sflag:s4] =	ssyncset.done $0x0  }
0x3c: {  	s19 =	sadd.s32 s5, s19;
	[sflag:s4] =	ssyncadd.s32 $0xFFFF6000  }
0x3d: {  	[hbm4b:s19+s2] =	stream.linear.scatter [tilespmem:s2], [sflag:$0x2], $0xA000, $0x38;
	[tilespmem:$0x1E000] =	vst v63  }
0x3e: {  	_ =	swait.ge [sflag:s8], $0xA000  }
0x3f: {  	s23 =	sor.u32 $0xA000, s1;
	[sflag:s8] =	ssyncset.done $0x0  }
0x40: {  	s20 =	sadd.s32 s30, s23;
	[sflag:s8] =	ssyncadd.s32 $0xFFFF6000  }
0x41: {  	[tilespmem:s7], [sflag:$0x1] =	stream.linear.gather [hbm4b:s20+s2], $0xA000, $0x38;
	[tilespmem:$0x1E000] =	vst v63  }
0x42: {  	_ =	swait.ge [sflag:s4], $0xA000  }
0x43: {  	[sflag:s4] =	ssyncset.done $0x0  }
0x44: {  	s21 =	sadd.s32 s5, s21;
	[sflag:s4] =	ssyncadd.s32 $0xFFFF6000  }
0x45: {  	[hbm4b:s21+s2] =	stream.linear.scatter [tilespmem:s3], [sflag:$0x2], $0xA000, $0x38;
	[tilespmem:$0x1E000] =	vst v63  }
0x46: {  	_ =	swait.ge [sflag:s8], $0xA000  }
0x47: {  	s25 =	sor.u32 $0xB400, s1;
	[sflag:s8] =	ssyncset.done $0x0  }
0x48: {  	s22 =	sadd.s32 s30, s25;
	[sflag:s8] =	ssyncadd.s32 $0xFFFF6000  }
0x49: {  	[tilespmem:s2], [sflag:$0x1] =	stream.linear.gather [hbm4b:s22+s2], $0xA000, $0x38;
	[tilespmem:$0x1E000] =	vst v63  }
0x4a: {  	_ =	swait.ge [sflag:s4], $0xA000  }
0x4b: {  	[sflag:s4] =	ssyncset.done $0x0  }
0x4c: {  	s23 =	sadd.s32 s5, s23;
	[sflag:s4] =	ssyncadd.s32 $0xFFFF6000  }
0x4d: {  	[hbm4b:s23+s2] =	stream.linear.scatter [tilespmem:s7], [sflag:$0x2], $0xA000, $0x38;
	[tilespmem:$0x1E000] =	vst v63  }
0x4e: {  	_ =	swait.ge [sflag:s8], $0xA000  }
0x4f: {  	s28 =	sor.u32 $0xC800, s1;
	[sflag:s8] =	ssyncset.done $0x0  }
0x50: {  	s24 =	sadd.s32 s30, s28;
	[sflag:s8] =	ssyncadd.s32 $0xFFFF6000  }
0x51: {  	[tilespmem:s3], [sflag:$0x1] =	stream.linear.gather [hbm4b:s24+s2], $0xA000, $0x38;
	[tilespmem:$0x1E000] =	vst v63  }
0x52: {  	_ =	swait.ge [sflag:s4], $0xA000  }
0x53: {  	[sflag:s4] =	ssyncset.done $0x0  }
0x54: {  	s25 =	sadd.s32 s5, s25;
	[sflag:s4] =	ssyncadd.s32 $0xFFFF6000  }
0x55: {  	[hbm4b:s25+s2] =	stream.linear.scatter [tilespmem:s2], [sflag:$0x2], $0xA000, $0x38;
	[tilespmem:$0x1E000] =	vst v63  }
0x56: {  	_ =	swait.ge [sflag:s8], $0xA000  }
0x57: {  	s29 =	sor.u32 $0xDC00, s1;
	[sflag:s8] =	ssyncset.done $0x0  }
0x58: {  	s6 =	smov.u32 s26;
	s26 =	sadd.s32 s30, s29;
	[sflag:s8] =	ssyncadd.s32 $0xFFFF6000  }
0x59: {  	[tilespmem:s7], [sflag:$0x1] =	stream.linear.gather [hbm4b:s26+s2], $0xA000, $0x38;
	[tilespmem:$0x1E000] =	vst v63  }
0x5a: {  	_ =	swait.ge [sflag:s4], $0xA000  }
0x5b: {  	[sflag:s4] =	ssyncset.done $0x0  }
0x5c: {  	s28 =	sadd.s32 s5, s28;
	[sflag:s4] =	ssyncadd.s32 $0xFFFF6000  }
0x5d: {  	[hbm4b:s28+s2] =	stream.linear.scatter [tilespmem:s3], [sflag:$0x2], $0xA000, $0x38;
	[tilespmem:$0x1E000] =	vst v63  }
0x5e: {  	_ =	swait.ge [sflag:s4], $0xA000  }
0x5f: {  	[sflag:s4] =	ssyncset.done $0x0  }
0x60: {  	s29 =	sadd.s32 s5, s29;
	[sflag:s4] =	ssyncadd.s32 $0xFFFF6000  }
0x61: {  	[hbm4b:s29+s2] =	stream.linear.scatter [tilespmem:s7], [sflag:$0x2], $0xA000, $0x38;
	[tilespmem:$0x1E000] =	vst v63  }
0x62: {  	_ =	swait.ge [sflag:s8], $0xA000  }
0x63: {  	[sflag:s8] =	ssyncset.done $0x0  }
0x64: {  	[sflag:s8] =	ssyncadd.s32 $0xFFFF6000  }
0x65: {  	_ =	swait.ge [sflag:s8], $0xA000  }
0x66: {  	s31 =	ssub.s32 $0x2, s31;
	[sflag:s8] =	ssyncset.done $0x0  }
0x67: {  	s0 =	sshrl.u32 s31, $0x1;
	[sflag:s8] =	ssyncadd.s32 $0xFFFF6000  }
0x68: {  	s0 =	ssub.s32 s31, s0;
	_ =	swait.ge [sflag:s8], $0xA000  }
0x69: {  	s0 =	smax.u32 s0, $0x1;
	s1 =	sor.u32 $0xF000, s1;
	[sflag:s8] =	ssyncset.done $0x0  }
0x6a: {  	p0 =	sne.s32 s0, $0x1;
	s30 =	sadd.s32 s30, s1;
	[sflag:s8] =	ssyncadd.s32 $0xFFFF6000  }
0x6b: {  	[tilespmem:s2], [sflag:$0x1] =	stream.linear.gather [hbm4b:s30+s2], $0x8000, $0x38;
	[tilespmem:$0x1E000] =	vst v63  }
.Ltmp0:
0x6c: {  	_ =	swait.ge [sflag:s4], $0x8000;
	(pc) =	sbr.rel @!p0 .LBB2_2-.Ltmp0, $4  }
0x6d: {  	[sflag:s4] =	ssyncset.done $0x0  }
0x6e: {  	s31 =	sadd.s32 s5, s1;
	[sflag:s4] =	ssyncadd.s32 $0xFFFF8000  }
0x6f: {  	[hbm4b:s31+s2] =	stream.linear.scatter [tilespmem:s2], [sflag:$0x2], $0x8000, $0x38;
	[tilespmem:$0x1E000] =	vst v63  }
0x70: {  	s0 =	sadd.s32 $0xFFFFFFFF, s0;
	_ =	swait.ge [sflag:s8], $0x8000  }
.LBB2_1:
0x71: {  	[sflag:s8] =	ssyncset.done $0x0  }
0x72: {  	s1 =	rddreg [dreg:$0x3];
	[sflag:s8] =	ssyncadd.s32 $0xFFFF8000  }
0x73: {  	[tilespmem:s2], [sflag:$0x1] =	stream.linear.gather [hbm4b:s1+s2], $0xA000, $0x38;
	[tilespmem:$0x1E000] =	vst v63  }
0x74: {  	s5 =	rddreg [dreg:$0x4]  }
0x75: {  	[tilespmem:s3], [sflag:$0x1] =	stream.linear.gather [hbm4b:s5+s2], $0xA000, $0x38;
	[tilespmem:$0x1E000] =	vst v63  }
0x76: {  	_ =	swait.ge [sflag:s4], $0xA000  }
0x77: {  	[sflag:s4] =	ssyncset.done $0x0  }
0x78: {  	s5 =	rddreg [dreg:$0x5];
	[sflag:s4] =	ssyncadd.s32 $0xFFFF6000  }
0x79: {  	[hbm4b:s5+s2] =	stream.linear.scatter [tilespmem:s2], [sflag:$0x2], $0xA000, $0x38;
	[tilespmem:$0x1E000] =	vst v63  }
0x7a: {  	_ = 	snop  }
0x7b: {  	[tilespmem:s7], [sflag:$0x1] =	stream.linear.gather [hbm4b:s6+s2], $0xA000, $0x38;
	[tilespmem:$0x1E000] =	vst v63  }
0x7c: {  	_ =	swait.ge [sflag:s4], $0xA000  }
0x7d: {  	[sflag:s4] =	ssyncset.done $0x0  }
0x7e: {  	[sflag:s4] =	ssyncadd.s32 $0xFFFF6000  }
0x7f: {  	[hbm4b:s9+s2] =	stream.linear.scatter [tilespmem:s3], [sflag:$0x2], $0xA000, $0x38;
	[tilespmem:$0x1E000] =	vst v63  }
0x80: {  	_ =	swait.ge [sflag:s8], $0xA000  }
0x81: {  	[sflag:s8] =	ssyncset.done $0x0  }
0x82: {  	[sflag:s8] =	ssyncadd.s32 $0xFFFF6000  }
0x83: {  	[tilespmem:s2], [sflag:$0x1] =	stream.linear.gather [hbm4b:s10+s2], $0xA000, $0x38;
	[tilespmem:$0x1E000] =	vst v63  }
0x84: {  	_ =	swait.ge [sflag:s4], $0xA000  }
0x85: {  	[sflag:s4] =	ssyncset.done $0x0  }
0x86: {  	[sflag:s4] =	ssyncadd.s32 $0xFFFF6000  }
0x87: {  	[hbm4b:s11+s2] =	stream.linear.scatter [tilespmem:s7], [sflag:$0x2], $0xA000, $0x38;
	[tilespmem:$0x1E000] =	vst v63  }
0x88: {  	_ =	swait.ge [sflag:s8], $0xA000  }
0x89: {  	[sflag:s8] =	ssyncset.done $0x0  }
0x8a: {  	[sflag:s8] =	ssyncadd.s32 $0xFFFF6000  }
0x8b: {  	[tilespmem:s3], [sflag:$0x1] =	stream.linear.gather [hbm4b:s12+s2], $0xA000, $0x38;
	[tilespmem:$0x1E000] =	vst v63  }
0x8c: {  	_ =	swait.ge [sflag:s4], $0xA000  }
0x8d: {  	[sflag:s4] =	ssyncset.done $0x0  }
0x8e: {  	[sflag:s4] =	ssyncadd.s32 $0xFFFF6000  }
0x8f: {  	[hbm4b:s13+s2] =	stream.linear.scatter [tilespmem:s2], [sflag:$0x2], $0xA000, $0x38;
	[tilespmem:$0x1E000] =	vst v63  }
0x90: {  	_ =	swait.ge [sflag:s8], $0xA000  }
0x91: {  	[sflag:s8] =	ssyncset.done $0x0  }
0x92: {  	[sflag:s8] =	ssyncadd.s32 $0xFFFF6000  }
0x93: {  	[tilespmem:s7], [sflag:$0x1] =	stream.linear.gather [hbm4b:s14+s2], $0xA000, $0x38;
	[tilespmem:$0x1E000] =	vst v63  }
0x94: {  	_ =	swait.ge [sflag:s4], $0xA000  }
0x95: {  	[sflag:s4] =	ssyncset.done $0x0  }
0x96: {  	[sflag:s4] =	ssyncadd.s32 $0xFFFF6000  }
0x97: {  	[hbm4b:s15+s2] =	stream.linear.scatter [tilespmem:s3], [sflag:$0x2], $0xA000, $0x38;
	[tilespmem:$0x1E000] =	vst v63  }
0x98: {  	_ =	swait.ge [sflag:s8], $0xA000  }
0x99: {  	[sflag:s8] =	ssyncset.done $0x0  }
0x9a: {  	[sflag:s8] =	ssyncadd.s32 $0xFFFF6000  }
0x9b: {  	[tilespmem:s2], [sflag:$0x1] =	stream.linear.gather [hbm4b:s16+s2], $0xA000, $0x38;
	[tilespmem:$0x1E000] =	vst v63  }
0x9c: {  	_ =	swait.ge [sflag:s4], $0xA000  }
0x9d: {  	[sflag:s4] =	ssyncset.done $0x0  }
0x9e: {  	[sflag:s4] =	ssyncadd.s32 $0xFFFF6000  }
0x9f: {  	[hbm4b:s17+s2] =	stream.linear.scatter [tilespmem:s7], [sflag:$0x2], $0xA000, $0x38;
	[tilespmem:$0x1E000] =	vst v63  }
0xa0: {  	_ =	swait.ge [sflag:s8], $0xA000  }
0xa1: {  	[sflag:s8] =	ssyncset.done $0x0  }
0xa2: {  	[sflag:s8] =	ssyncadd.s32 $0xFFFF6000  }
0xa3: {  	[tilespmem:s3], [sflag:$0x1] =	stream.linear.gather [hbm4b:s18+s2], $0xA000, $0x38;
	[tilespmem:$0x1E000] =	vst v63  }
0xa4: {  	_ =	swait.ge [sflag:s4], $0xA000  }
0xa5: {  	[sflag:s4] =	ssyncset.done $0x0  }
0xa6: {  	[sflag:s4] =	ssyncadd.s32 $0xFFFF6000  }
0xa7: {  	[hbm4b:s19+s2] =	stream.linear.scatter [tilespmem:s2], [sflag:$0x2], $0xA000, $0x38;
	[tilespmem:$0x1E000] =	vst v63  }
0xa8: {  	_ =	swait.ge [sflag:s8], $0xA000  }
0xa9: {  	[sflag:s8] =	ssyncset.done $0x0  }
0xaa: {  	[sflag:s8] =	ssyncadd.s32 $0xFFFF6000  }
0xab: {  	[tilespmem:s7], [sflag:$0x1] =	stream.linear.gather [hbm4b:s20+s2], $0xA000, $0x38;
	[tilespmem:$0x1E000] =	vst v63  }
0xac: {  	_ =	swait.ge [sflag:s4], $0xA000  }
0xad: {  	[sflag:s4] =	ssyncset.done $0x0  }
0xae: {  	[sflag:s4] =	ssyncadd.s32 $0xFFFF6000  }
0xaf: {  	[hbm4b:s21+s2] =	stream.linear.scatter [tilespmem:s3], [sflag:$0x2], $0xA000, $0x38;
	[tilespmem:$0x1E000] =	vst v63  }
0xb0: {  	_ =	swait.ge [sflag:s8], $0xA000  }
0xb1: {  	[sflag:s8] =	ssyncset.done $0x0  }
0xb2: {  	[sflag:s8] =	ssyncadd.s32 $0xFFFF6000  }
0xb3: {  	[tilespmem:s2], [sflag:$0x1] =	stream.linear.gather [hbm4b:s22+s2], $0xA000, $0x38;
	[tilespmem:$0x1E000] =	vst v63  }
0xb4: {  	_ =	swait.ge [sflag:s4], $0xA000  }
0xb5: {  	[sflag:s4] =	ssyncset.done $0x0  }
0xb6: {  	[sflag:s4] =	ssyncadd.s32 $0xFFFF6000  }
0xb7: {  	[hbm4b:s23+s2] =	stream.linear.scatter [tilespmem:s7], [sflag:$0x2], $0xA000, $0x38;
	[tilespmem:$0x1E000] =	vst v63  }
0xb8: {  	_ =	swait.ge [sflag:s8], $0xA000  }
0xb9: {  	[sflag:s8] =	ssyncset.done $0x0  }
0xba: {  	[sflag:s8] =	ssyncadd.s32 $0xFFFF6000  }
0xbb: {  	[tilespmem:s3], [sflag:$0x1] =	stream.linear.gather [hbm4b:s24+s2], $0xA000, $0x38;
	[tilespmem:$0x1E000] =	vst v63  }
0xbc: {  	_ =	swait.ge [sflag:s4], $0xA000  }
0xbd: {  	[sflag:s4] =	ssyncset.done $0x0  }
0xbe: {  	[sflag:s4] =	ssyncadd.s32 $0xFFFF6000  }
0xbf: {  	[hbm4b:s25+s2] =	stream.linear.scatter [tilespmem:s2], [sflag:$0x2], $0xA000, $0x38;
	[tilespmem:$0x1E000] =	vst v63  }
0xc0: {  	_ =	swait.ge [sflag:s8], $0xA000  }
0xc1: {  	[sflag:s8] =	ssyncset.done $0x0  }
0xc2: {  	[sflag:s8] =	ssyncadd.s32 $0xFFFF6000  }
0xc3: {  	[tilespmem:s7], [sflag:$0x1] =	stream.linear.gather [hbm4b:s26+s2], $0xA000, $0x38;
	[tilespmem:$0x1E000] =	vst v63  }
0xc4: {  	_ =	swait.ge [sflag:s4], $0xA000  }
0xc5: {  	[sflag:s4] =	ssyncset.done $0x0  }
0xc6: {  	[sflag:s4] =	ssyncadd.s32 $0xFFFF6000  }
0xc7: {  	[hbm4b:s28+s2] =	stream.linear.scatter [tilespmem:s3], [sflag:$0x2], $0xA000, $0x38;
	[tilespmem:$0x1E000] =	vst v63  }
0xc8: {  	_ =	swait.ge [sflag:s4], $0xA000  }
0xc9: {  	[sflag:s4] =	ssyncset.done $0x0  }
0xca: {  	[sflag:s4] =	ssyncadd.s32 $0xFFFF6000  }
0xcb: {  	[hbm4b:s29+s2] =	stream.linear.scatter [tilespmem:s7], [sflag:$0x2], $0xA000, $0x38;
	[tilespmem:$0x1E000] =	vst v63  }
0xcc: {  	_ =	swait.ge [sflag:s8], $0xA000  }
0xcd: {  	[sflag:s8] =	ssyncset.done $0x0  }
0xce: {  	[sflag:s8] =	ssyncadd.s32 $0xFFFF6000  }
0xcf: {  	_ =	swait.ge [sflag:s8], $0xA000  }
0xd0: {  	[sflag:s8] =	ssyncset.done $0x0  }
0xd1: {  	[sflag:s8] =	ssyncadd.s32 $0xFFFF6000  }
0xd2: {  	_ =	swait.ge [sflag:s8], $0xA000  }
0xd3: {  	[sflag:s8] =	ssyncset.done $0x0  }
0xd4: {  	p0 =	sne.s32 s0, $0x1;
	[sflag:s8] =	ssyncadd.s32 $0xFFFF6000  }
0xd5: {  	[tilespmem:s2], [sflag:$0x1] =	stream.linear.gather [hbm4b:s30+s2], $0x8000, $0x38;
	[tilespmem:$0x1E000] =	vst v63  }
.Ltmp1:
0xd6: {  	_ =	swait.ge [sflag:s4], $0x8000;
	(pc) =	sbr.rel @p0 .LBB2_1-.Ltmp1, $4  }
0xd7: {  	[sflag:s4] =	ssyncset.done $0x0  }
0xd8: {  	[sflag:s4] =	ssyncadd.s32 $0xFFFF8000  }
0xd9: {  	[hbm4b:s31+s2] =	stream.linear.scatter [tilespmem:s2], [sflag:$0x2], $0x8000, $0x38;
	[tilespmem:$0x1E000] =	vst v63  }
0xda: {  	s0 =	sadd.s32 $0xFFFFFFFF, s0;
	_ =	swait.ge [sflag:s8], $0x8000  }
.LBB2_2:
0xdb: {  	[sflag:s8] =	ssyncset.done $0x0  }
0xdc: {  	[sflag:s8] =	ssyncadd.s32 $0xFFFF8000  }
0xdd: {  	_ =	sfence.sel $0x180000  }
0xde: {  	[bflag:$0x0] =	sbarrier.arrive $0xFFFF  }
0xdf: {  	_ =	strace $0x90000047  }
0xe0: {  	s0 =	stileid.u32;
	[bflag:$0x2] =	sbarrier.arrive $0xFFFF  }
0xe1: {  	p0 =	sne.s32 s0, $0x0;
	s0 =	rddreg [dreg:$0x2]  }
0xe2: {  	s0 =	sadd.s32 @!p0 $0x100000, s0  }
0xe3: {  	[sflag:s0] =	ssyncadd.tile.s32 @!p0 $0x1;
	_ =	shalt  }
.Lfunc_end2:
_tile_overlayer_lowered:
.L_overlay_start_2:
0xe4: {  	(tag) =	ssettag $0x2  }
0xe5: {  	s0 =	rddreg [dreg:$0x0];
	s2 =	stileid.u32  }
0xe6: {  	s1 =	rddreg [dreg:$0x1];
	p0 =	sne.s32 s2, $0x0  }
0xe7: {  	s3 =	rddreg [dreg:$0x2];
	[bflag:$0x3] =	sbarrier.arrive $0xFFFF;
	s2 =	simm.s32 @!p0 $0x1C03  }
0xe8: {  	[timem:s3], [sflag:s2] =	dma.local @!p0 [hbm:s0], s1  }
0xe9: {  	s0 =	simm.s32 @!p0 $0x3  }
0xea: {  	_ =	swait.ge @!p0 [sflag:s0], s1  }
0xeb: {  	s1 =	ssub.s32 @!p0 $0x0, s1;
	[sflag:s0] =	ssyncset.done @!p0 $0x0  }
0xec: {  	[sflag:s0] =	ssyncadd.s32 @!p0 s1  }
0xed: {  	[bflag:$0x3] =	sbarrier.arrive $0xFFFF  }
0xee: {  	_ =	shalt  }

</sc_bundles>
